<compile_context>
chip_gen: v7x
topology: tpu7x:2x2x1
jax: 0.10.2.dev20260603
libtpu: 0.0.44.dev20260713+nightly
codegen_flags: <defaults>
</compile_context>

<pallas_src>
import functools

import jax
import jax.numpy as jnp
from jax import lax
from jax.experimental import pallas as pl
from jax.experimental.pallas import tpu as pltpu
from jax.experimental.pallas import tpu_sc as plsc

N_CORES = 2
N_SUBCORES = 16
NW = N_CORES * N_SUBCORES
BLK = 2048


def _pad_up(x, m):
    return (x + m - 1) // m * m


def _sc_mesh():
    return plsc.VectorSubcoreMesh(core_axis_name="c", subcore_axis_name="s")


_SC_PARAMS = pltpu.CompilerParams(use_tc_tiling_on_sc=False)


def _sc_hist(row_idx, n_pad, cpt):
    chunk = row_idx.shape[2]
    rows_per_tile = n_pad // N_SUBCORES
    slabs = rows_per_tile // chunk

    @functools.partial(
        pl.kernel,
        out_type=jax.ShapeDtypeStruct((N_CORES, n_pad, 16), jnp.float32),
        mesh=_sc_mesh(),
        scratch_types=[
            pltpu.VMEM((cpt, chunk), jnp.int32),
            pltpu.VMEM((chunk, 16), jnp.float32),
            pltpu.VMEM((chunk, 16), jnp.float32),
            pltpu.VMEM_SHARED((n_pad, 16), jnp.float32),
            pltpu.SemaphoreType.DMA,
        ],
        compiler_params=_SC_PARAMS,
    )
    def hist_kernel(row_hbm, out_hbm, idx_v, ones_v, zeros_v, hist_s, sem):
        c = lax.axis_index("c")
        s = lax.axis_index("s")
        w = c * N_SUBCORES + s
        pltpu.async_copy(row_hbm.at[w], idx_v, sem).wait()

        @pl.loop(0, chunk)
        def _(i):
            ones_v[i, :] = jnp.full((16,), 1.0, jnp.float32)
            zeros_v[i, :] = jnp.zeros((16,), jnp.float32)

        @pl.loop(0, slabs)
        def _(k):
            pltpu.sync_copy(
                zeros_v, hist_s.at[pl.ds(s * rows_per_tile + k * chunk, chunk)]
            )

        plsc.subcore_barrier()

        @pl.loop(0, cpt)
        def _(j):
            pltpu.sync_copy(ones_v, hist_s.at[idx_v.at[j]], add=True)

        plsc.subcore_barrier()
        pltpu.sync_copy(
            hist_s.at[pl.ds(s * rows_per_tile, rows_per_tile)],
            out_hbm.at[c].at[pl.ds(s * rows_per_tile, rows_per_tile)],
        )

    return hist_kernel(row_idx)


def _sc_scatter(col_idx, row_idx, z, n_pad, sync_ring=False):
    _, cpt, chunk = col_idx.shape
    d = z.shape[1]
    rows_per_tile = n_pad // N_SUBCORES
    slabs = rows_per_tile // chunk

    @functools.partial(
        pl.kernel,
        out_type=jax.ShapeDtypeStruct((N_CORES, n_pad, d), jnp.float32),
        mesh=_sc_mesh(),
        scratch_types=[
            pltpu.VMEM((cpt, chunk), jnp.int32),
            pltpu.VMEM((cpt, chunk), jnp.int32),
            [pltpu.VMEM((chunk, d), jnp.float32) for _ in range(3)],
            pltpu.VMEM_SHARED((n_pad, d), jnp.float32),
            [pltpu.SemaphoreType.DMA for _ in range(3)],
            [pltpu.SemaphoreType.DMA for _ in range(3)],
            pltpu.SemaphoreType.DMA,
        ],
        compiler_params=_SC_PARAMS,
    )
    def scat_kernel(col_hbm, row_hbm, z_hbm, out_hbm, cidx_v, ridx_v, bufs,
                    acc_s, gsems, ssems, sem):
        c = lax.axis_index("c")
        s = lax.axis_index("s")
        w = c * N_SUBCORES + s
        pltpu.async_copy(col_hbm.at[w], cidx_v, sem).wait()
        pltpu.async_copy(row_hbm.at[w], ridx_v, sem).wait()

        zeros_v = bufs[2]

        @pl.loop(0, chunk)
        def _(i):
            @pl.loop(0, d // 16)
            def _(t):
                zeros_v[i, pl.ds(t * 16, 16)] = jnp.zeros((16,), jnp.float32)

        @pl.loop(0, slabs)
        def _(k):
            pltpu.sync_copy(
                zeros_v,
                acc_s.at[pl.ds(s * rows_per_tile + k * chunk, chunk)],
            )

        plsc.subcore_barrier()

        if sync_ring:
            for b in range(3):
                pltpu.async_copy(z_hbm.at[cidx_v.at[b]], bufs[b], gsems[b])

            @pl.loop(0, cpt, step=3)
            def _(j):
                for t in range(3):
                    pltpu.make_async_copy(
                        z_hbm.at[cidx_v.at[j + t]], bufs[t], gsems[t]).wait()
                    pltpu.sync_copy(
                        bufs[t], acc_s.at[ridx_v.at[j + t]], add=True)

                    @pl.when(j + t + 3 < cpt)
                    def _():
                        pltpu.async_copy(
                            z_hbm.at[cidx_v.at[j + t + 3]], bufs[t],
                            gsems[t])
        else:
            pltpu.async_copy(z_hbm.at[cidx_v.at[0]], bufs[0], gsems[0])
            pltpu.async_copy(z_hbm.at[cidx_v.at[1]], bufs[1], gsems[1])

            @pl.loop(0, cpt, step=3)
            def _(j):
                for t in range(3):
                    k = j + t
                    o = (t + 2) % 3
                    pltpu.make_async_copy(
                        z_hbm.at[cidx_v.at[k]], bufs[t], gsems[t]).wait()
                    pltpu.async_copy(
                        bufs[t], acc_s.at[ridx_v.at[k]], ssems[t], add=True)
                    if t == 0:
                        @pl.when(k >= 1)
                        def _():
                            pltpu.make_async_copy(
                                bufs[o], acc_s.at[ridx_v.at[k - 1]],
                                ssems[o]).wait()
                        pltpu.async_copy(
                            z_hbm.at[cidx_v.at[k + 2]], bufs[o], gsems[o])
                    else:
                        pltpu.make_async_copy(
                            bufs[o], acc_s.at[ridx_v.at[k - 1]],
                            ssems[o]).wait()

                        @pl.when(k + 2 < cpt)
                        def _():
                            pltpu.async_copy(
                                z_hbm.at[cidx_v.at[k + 2]], bufs[o],
                                gsems[o])

            pltpu.make_async_copy(
                bufs[(cpt - 1) % 3], acc_s.at[ridx_v.at[cpt - 1]],
                ssems[(cpt - 1) % 3]).wait()
        plsc.subcore_barrier()
        pltpu.sync_copy(
            acc_s.at[pl.ds(s * rows_per_tile, rows_per_tile)],
            out_hbm.at[c].at[pl.ds(s * rows_per_tile, rows_per_tile)],
        )

    return scat_kernel(col_idx, row_idx, z)


def _tc_matmul(x, w1):
    n, k = x.shape
    m = w1.shape[1]
    grid = (n + BLK - 1) // BLK

    def body(x_ref, w_ref, o_ref):
        o_ref[...] = jnp.dot(x_ref[...], w_ref[...],
                             preferred_element_type=jnp.float32)

    return pl.pallas_call(
        body,
        grid=(grid,),
        in_specs=[
            pl.BlockSpec((BLK, k), lambda i: (i, 0)),
            pl.BlockSpec((k, m), lambda i: (0, 0)),
        ],
        out_specs=pl.BlockSpec((BLK, m), lambda i: (i, 0)),
        out_shape=jax.ShapeDtypeStruct((n, m), jnp.float32),
    )(x, w1)


def _tc_scale(hist, y):
    n, m = y.shape
    grid = (n + BLK - 1) // BLK

    def body(h_ref, y_ref, d_ref, z_ref):
        deg = h_ref[0, :, 0:1] + h_ref[1, :, 0:1] + 1.0
        dv = lax.rsqrt(deg)
        d_ref[...] = dv
        z_ref[...] = y_ref[...] * dv

    return pl.pallas_call(
        body,
        grid=(grid,),
        in_specs=[
            pl.BlockSpec((N_CORES, BLK, 16), lambda i: (0, i, 0)),
            pl.BlockSpec((BLK, m), lambda i: (i, 0)),
        ],
        out_specs=[
            pl.BlockSpec((BLK, 1), lambda i: (i, 0)),
            pl.BlockSpec((BLK, m), lambda i: (i, 0)),
        ],
        out_shape=[
            jax.ShapeDtypeStruct((n, 1), jnp.float32),
            jax.ShapeDtypeStruct((n, m), jnp.float32),
        ],
    )(hist, y)


def _tc_mid(p1, z1, dvec, b1, w2p):
    n, m = z1.shape
    mp = w2p.shape[1]
    grid = (n + BLK - 1) // BLK

    def body(p_ref, z_ref, d_ref, b_ref, w_ref, o_ref):
        dv = d_ref[...]
        h = dv * (p_ref[0] + p_ref[1] + z_ref[...]) + b_ref[...]
        h = jnp.maximum(h, 0.0)
        o_ref[...] = dv * jnp.dot(h, w_ref[...],
                                  preferred_element_type=jnp.float32)

    return pl.pallas_call(
        body,
        grid=(grid,),
        in_specs=[
            pl.BlockSpec((N_CORES, BLK, m), lambda i: (0, i, 0)),
            pl.BlockSpec((BLK, m), lambda i: (i, 0)),
            pl.BlockSpec((BLK, 1), lambda i: (i, 0)),
            pl.BlockSpec((1, m), lambda i: (0, 0)),
            pl.BlockSpec((m, mp), lambda i: (0, 0)),
        ],
        out_specs=pl.BlockSpec((BLK, mp), lambda i: (i, 0)),
        out_shape=jax.ShapeDtypeStruct((n, mp), jnp.float32),
    )(p1, z1, dvec, b1, w2p)


def _tc_out(p2, z2, dvec, b2, nclass):
    n, mp = z2.shape
    grid = (n + BLK - 1) // BLK

    def body(p_ref, z_ref, d_ref, b_ref, o_ref):
        full = d_ref[...] * (p_ref[0] + p_ref[1] + z_ref[...])
        o_ref[...] = full[:, :nclass] + b_ref[...]

    return pl.pallas_call(
        body,
        grid=(grid,),
        in_specs=[
            pl.BlockSpec((N_CORES, BLK, mp), lambda i: (0, i, 0)),
            pl.BlockSpec((BLK, mp), lambda i: (i, 0)),
            pl.BlockSpec((BLK, 1), lambda i: (i, 0)),
            pl.BlockSpec((1, nclass), lambda i: (0, 0)),
        ],
        out_specs=pl.BlockSpec((BLK, nclass), lambda i: (i, 0)),
        out_shape=jax.ShapeDtypeStruct((n, nclass), jnp.float32),
    )(p2, z2, dvec, b2)


def kernel(x, edge_index, W1, b1, W2, b2):
    n, nfeat = x.shape
    e = edge_index.shape[1]
    nclass = W2.shape[1]

    ch1 = 64
    ch2 = 128
    e_pad = _pad_up(e, NW * 3 * max(ch1, ch2))
    n_pad = _pad_up(n + 1, N_SUBCORES * 128)

    row = edge_index[0]
    col = edge_index[1]
    pad = e_pad - e

    dummy_r = n + jnp.arange(pad, dtype=jnp.int32) % (n_pad - n)
    dummy_c = (jnp.arange(pad, dtype=jnp.int32) * 131) % n
    rowf = jnp.concatenate([row, dummy_r])
    colf = jnp.concatenate([col, dummy_c])
    rowp1 = rowf.reshape(NW, e_pad // (NW * ch1), ch1)
    colp1 = colf.reshape(NW, e_pad // (NW * ch1), ch1)
    rowp2 = rowf.reshape(NW, e_pad // (NW * ch2), ch2)
    colp2 = colf.reshape(NW, e_pad // (NW * ch2), ch2)

    ncp = _pad_up(nclass, 16)
    w2p = jnp.pad(W2, ((0, 0), (0, ncp - nclass)))

    hist = _sc_hist(rowp2, n_pad, e_pad // (NW * ch2))
    y1 = _tc_matmul(x, W1)
    dvec, z1 = _tc_scale(hist, y1)
    p1 = _sc_scatter(colp1, rowp1, z1, n_pad)
    z2 = _tc_mid(p1, z1, dvec, b1.reshape(1, -1), w2p)
    p2 = _sc_scatter(colp2, rowp2, z2, n_pad, sync_ring=True)
    out = _tc_out(p2, z2, dvec, b2.reshape(1, -1), nclass)
    return out

# --- scband reference (transcript-rebuilt; emitter-appended) ---
"""Pipeline reference for scband-gcn-19567871001264 (READ-ONLY COPY).

The authoritative reference and input builder live on the scoring server;
editing this copy changes nothing except your own understanding.
"""

import jax, jax.numpy as jnp
import numpy as np

N = 10000
E = 320000
NFEAT = 128
NHID = 128
NCLASS = 40


def setup_inputs(seed: int = 0) -> dict:
    key = jax.random.key(seed)
    k1, k2, k3, k4, k5, k6 = jax.random.split(key, 6)
    x = jax.random.normal(k1, (N, NFEAT), dtype=jnp.float32)
    edge_index = jax.random.randint(k2, (2, E), 0, N, dtype=jnp.int32)
    # GraphConvolution learned parameters (Glorot-style init)
    s1 = 1.0 / np.sqrt(NFEAT)
    s2 = 1.0 / np.sqrt(NHID)
    W1 = jax.random.uniform(k3, (NFEAT, NHID), jnp.float32, -s1, s1)
    b1 = jax.random.uniform(k4, (NHID,), jnp.float32, -s1, s1)
    W2 = jax.random.uniform(k5, (NHID, NCLASS), jnp.float32, -s2, s2)
    b2 = jax.random.uniform(k6, (NCLASS,), jnp.float32, -s2, s2)
    return {"x": x, "edge_index": edge_index, "W1": W1, "b1": b1, "W2": W2, "b2": b2}


def reference(x, edge_index, W1, b1, W2, b2):
    # aug_normalized_adjacency: A_hat = D^{-1/2} (A + I) D^{-1/2}, stored as COO
    row = edge_index[0]
    col = edge_index[1]
    loops = jnp.arange(N, dtype=row.dtype)
    row = jnp.concatenate([row, loops])
    col = jnp.concatenate([col, loops])
    deg = jax.ops.segment_sum(jnp.ones(row.shape[0], jnp.float32), row, num_segments=N)
    d_inv_sqrt = jnp.where(deg > 0, 1.0 / jnp.sqrt(deg), 0.0)
    w = d_inv_sqrt[row] * d_inv_sqrt[col]

    def spmm(h):
        # out[r] = sum_e A_hat[r, c_e] * h[c_e]  (gather + scatter-add)
        return jax.ops.segment_sum(w[:, None] * h[col], row, num_segments=N)

    # GCN.forward with dropout in eval mode (identity)
    h = jax.nn.relu(spmm(x @ W1) + b1)
    out = spmm(h @ W2) + b2
    return out

if __name__ == "__main__":
    import jax
    _d = setup_inputs()
    print(jax.jit(kernel)(*tuple(_d.values())))

</pallas_src>

<mosaic_0001>
#map = affine_map<(d0, d1) -> (0, 0, 0)>
#map1 = affine_map<(d0, d1) -> (0, 0)>
module attributes {stable_mosaic.version = 14 : i64} {
  func.func @scat_kernel(%arg0: i32, %arg1: i32, %arg2: memref<32x81x128xi32, #tpu.memory_space<hbm>>, %arg3: memref<32x81x128xi32, #tpu.memory_space<hbm>>, %arg4: memref<10000x48xf32, #tpu.memory_space<hbm>>, %arg5: memref<2x10240x48xf32, #tpu.memory_space<hbm>>, %arg6: memref<81x128xi32, #tpu.memory_space<vmem>>, %arg7: memref<81x128xi32, #tpu.memory_space<vmem>>, %arg8: memref<128x48xf32, #tpu.memory_space<vmem>>, %arg9: memref<128x48xf32, #tpu.memory_space<vmem>>, %arg10: memref<128x48xf32, #tpu.memory_space<vmem>>, %arg11: memref<10240x48xf32, #tpu.memory_space<vmem_shared>>, %arg12: memref<!tpu.dma_semaphore, #tpu.memory_space<semaphore_mem>>, %arg13: memref<!tpu.dma_semaphore, #tpu.memory_space<semaphore_mem>>, %arg14: memref<!tpu.dma_semaphore, #tpu.memory_space<semaphore_mem>>, %arg15: memref<!tpu.dma_semaphore, #tpu.memory_space<semaphore_mem>>, %arg16: memref<!tpu.dma_semaphore, #tpu.memory_space<semaphore_mem>>, %arg17: memref<!tpu.dma_semaphore, #tpu.memory_space<semaphore_mem>>, %arg18: memref<!tpu.dma_semaphore, #tpu.memory_space<semaphore_mem>>) attributes {dimension_semantics = [#tpu.dimension_semantics<core_parallel>, #tpu.dimension_semantics<subcore_parallel>], iteration_bounds = array<i64: 2, 16>, scalar_prefetch = 0 : i64, scratch_operands = 13 : i64, tpu.core_type = #tpu.core_type<sc_vector_subcore>, window_params = [{transform_indices = #map}, {transform_indices = #map}, {transform_indices = #map1}, {transform_indices = #map}]} {
    %mul3A = arith.constant 16 : i32
    %mul3A_0 = arith.muli %arg0, %mul3A : i32
    %add3A = arith.addi %mul3A_0, %arg1 : i32
    %dma_start3A = arith.constant 0 : i32
    %dma_start3A_1 = arith.constant 0 : i32
    %dma_start3A_2 = tpu.memref_slice %arg2[%add3A, %dma_start3A, %dma_start3A_1] : memref<32x81x128xi32, #tpu.memory_space<hbm>> -> memref<1x81x128xi32, #tpu.memory_space<hbm>>
    %dma_start3A_3 = tpu.memref_squeeze %dma_start3A_2 : memref<1x81x128xi32, #tpu.memory_space<hbm>> -> memref<81x128xi32, #tpu.memory_space<hbm>>
    %dma_start3A_4 = arith.constant 0 : i32
    %dma_start3A_5 = arith.constant 0 : i32
    %dma_start3A_6 = tpu.memref_slice %arg2[%add3A, %dma_start3A_4, %dma_start3A_5] : memref<32x81x128xi32, #tpu.memory_space<hbm>> -> memref<1x81x128xi32, #tpu.memory_space<hbm>>
    %dma_start3A_7 = tpu.memref_squeeze %dma_start3A_6 : memref<1x81x128xi32, #tpu.memory_space<hbm>> -> memref<81x128xi32, #tpu.memory_space<hbm>>
    tpu.enqueue_dma source(%dma_start3A_7 : memref<81x128xi32, #tpu.memory_space<hbm>>) target(%arg6 : memref<81x128xi32, #tpu.memory_space<vmem>>) target_semaphore(%arg18 : memref<!tpu.dma_semaphore, #tpu.memory_space<semaphore_mem>>)
    %dma_wait3A = arith.constant 0 : i32
    %dma_wait3A_8 = arith.constant 0 : i32
    %dma_wait3A_9 = tpu.memref_slice %arg2[%add3A, %dma_wait3A, %dma_wait3A_8] : memref<32x81x128xi32, #tpu.memory_space<hbm>> -> memref<1x81x128xi32, #tpu.memory_space<hbm>>
    %dma_wait3A_10 = tpu.memref_squeeze %dma_wait3A_9 : memref<1x81x128xi32, #tpu.memory_space<hbm>> -> memref<81x128xi32, #tpu.memory_space<hbm>>
    %dma_wait3A_11 = arith.constant 0 : i32
    %dma_wait3A_12 = arith.constant 0 : i32
    %dma_wait3A_13 = tpu.memref_slice %arg2[%add3A, %dma_wait3A_11, %dma_wait3A_12] : memref<32x81x128xi32, #tpu.memory_space<hbm>> -> memref<1x81x128xi32, #tpu.memory_space<hbm>>
    %dma_wait3A_14 = tpu.memref_squeeze %dma_wait3A_13 : memref<1x81x128xi32, #tpu.memory_space<hbm>> -> memref<81x128xi32, #tpu.memory_space<hbm>>
    tpu.wait_dma2 semaphore(%arg18 : memref<!tpu.dma_semaphore, #tpu.memory_space<semaphore_mem>>) src(%dma_wait3A_14 : memref<81x128xi32, #tpu.memory_space<hbm>>) dst(%arg6 : memref<81x128xi32, #tpu.memory_space<vmem>>)
    %dma_start3A_15 = arith.constant 0 : i32
    %dma_start3A_16 = arith.constant 0 : i32
    %dma_start3A_17 = tpu.memref_slice %arg3[%add3A, %dma_start3A_15, %dma_start3A_16] : memref<32x81x128xi32, #tpu.memory_space<hbm>> -> memref<1x81x128xi32, #tpu.memory_space<hbm>>
    %dma_start3A_18 = tpu.memref_squeeze %dma_start3A_17 : memref<1x81x128xi32, #tpu.memory_space<hbm>> -> memref<81x128xi32, #tpu.memory_space<hbm>>
    %dma_start3A_19 = arith.constant 0 : i32
    %dma_start3A_20 = arith.constant 0 : i32
    %dma_start3A_21 = tpu.memref_slice %arg3[%add3A, %dma_start3A_19, %dma_start3A_20] : memref<32x81x128xi32, #tpu.memory_space<hbm>> -> memref<1x81x128xi32, #tpu.memory_space<hbm>>
    %dma_start3A_22 = tpu.memref_squeeze %dma_start3A_21 : memref<1x81x128xi32, #tpu.memory_space<hbm>> -> memref<81x128xi32, #tpu.memory_space<hbm>>
    tpu.enqueue_dma source(%dma_start3A_22 : memref<81x128xi32, #tpu.memory_space<hbm>>) target(%arg7 : memref<81x128xi32, #tpu.memory_space<vmem>>) target_semaphore(%arg18 : memref<!tpu.dma_semaphore, #tpu.memory_space<semaphore_mem>>)
    %dma_wait3A_23 = arith.constant 0 : i32
    %dma_wait3A_24 = arith.constant 0 : i32
    %dma_wait3A_25 = tpu.memref_slice %arg3[%add3A, %dma_wait3A_23, %dma_wait3A_24] : memref<32x81x128xi32, #tpu.memory_space<hbm>> -> memref<1x81x128xi32, #tpu.memory_space<hbm>>
    %dma_wait3A_26 = tpu.memref_squeeze %dma_wait3A_25 : memref<1x81x128xi32, #tpu.memory_space<hbm>> -> memref<81x128xi32, #tpu.memory_space<hbm>>
    %dma_wait3A_27 = arith.constant 0 : i32
    %dma_wait3A_28 = arith.constant 0 : i32
    %dma_wait3A_29 = tpu.memref_slice %arg3[%add3A, %dma_wait3A_27, %dma_wait3A_28] : memref<32x81x128xi32, #tpu.memory_space<hbm>> -> memref<1x81x128xi32, #tpu.memory_space<hbm>>
    %dma_wait3A_30 = tpu.memref_squeeze %dma_wait3A_29 : memref<1x81x128xi32, #tpu.memory_space<hbm>> -> memref<81x128xi32, #tpu.memory_space<hbm>>
    tpu.wait_dma2 semaphore(%arg18 : memref<!tpu.dma_semaphore, #tpu.memory_space<semaphore_mem>>) src(%dma_wait3A_30 : memref<81x128xi32, #tpu.memory_space<hbm>>) dst(%arg7 : memref<81x128xi32, #tpu.memory_space<vmem>>)
    %scan3A = arith.constant 0 : i32
    %scan3A_31 = arith.constant 128 : i32
    %scan3A_32 = arith.addi %scan3A, %scan3A_31 : i32
    %scan3A_33 = arith.constant 1 : i32
    scf.for %scan3A_71 = %scan3A to %scan3A_32 step %scan3A_33  : i32 {
      %mul3A_72 = arith.constant 1 : i32
      %mul3A_73 = arith.muli %scan3A_71, %mul3A_72 : i32
      %add3A_74 = arith.constant 0 : i32
      %add3A_75 = arith.addi %add3A_74, %mul3A_73 : i32
      %scan3A_76 = arith.constant 0 : i32
      %scan3A_77 = arith.constant 3 : i32
      %scan3A_78 = arith.addi %scan3A_76, %scan3A_77 : i32
      %scan3A_79 = arith.constant 1 : i32
      scf.for %scan3A_81 = %scan3A_76 to %scan3A_78 step %scan3A_79  : i32 {
        %mul3A_82 = arith.constant 1 : i32
        %mul3A_83 = arith.muli %scan3A_81, %mul3A_82 : i32
        %add3A_84 = arith.constant 0 : i32
        %add3A_85 = arith.addi %add3A_84, %mul3A_83 : i32
        %broadcast_in_dim3A = arith.constant 0.000000e+00 : f32
        %broadcast_in_dim3A_86 = vector.broadcast %broadcast_in_dim3A : f32 to vector<16xf32>
        %mul3A_87 = arith.constant 16 : i32
        %mul3A_88 = arith.muli %add3A_85, %mul3A_87 : i32
        %swap3A = arith.index_cast %add3A_75 : i32 to index
        %swap3A_89 = arith.index_cast %mul3A_88 : i32 to index
        %swap3A_90 = tpu.vector_load %arg10[%swap3A, %swap3A_89] {strides = array<i32>} : memref<128x48xf32, #tpu.memory_space<vmem>>, vector<1x16xf32>,
        %swap3A_91 = vector.shape_cast %swap3A_90 : vector<1x16xf32> to vector<16xf32>
        %swap3A_92 = vector.shape_cast %broadcast_in_dim3A_86 : vector<16xf32> to vector<1x16xf32>
        tpu.vector_store %arg10[%swap3A, %swap3A_89], %swap3A_92 {strides = array<i32>} : memref<128x48xf32, #tpu.memory_space<vmem>>, vector<1x16xf32>,
      }
      %scan3A_80 = arith.constant 3 : i32
    }
    %scan3A_34 = arith.constant 128 : i32
    %scan3A_35 = arith.constant 0 : i32
    %scan3A_36 = arith.constant 5 : i32
    %scan3A_37 = arith.addi %scan3A_35, %scan3A_36 : i32
    %scan3A_38 = arith.constant 1 : i32
    scf.for %scan3A_71 = %scan3A_35 to %scan3A_37 step %scan3A_38  : i32 {
      %mul3A_72 = arith.constant 1 : i32
      %mul3A_73 = arith.muli %scan3A_71, %mul3A_72 : i32
      %add3A_74 = arith.constant 0 : i32
      %add3A_75 = arith.addi %add3A_74, %mul3A_73 : i32
      %mul3A_76 = arith.constant 640 : i32
      %mul3A_77 = arith.muli %arg1, %mul3A_76 : i32
      %mul3A_78 = arith.constant 128 : i32
      %mul3A_79 = arith.muli %add3A_75, %mul3A_78 : i32
      %add3A_80 = arith.addi %mul3A_77, %mul3A_79 : i32
      "tpu.region"() ({
        %run_scoped3A = tpu.sem_alloc : memref<!tpu.dma_semaphore, #tpu.memory_space<semaphore_mem>>
        %dma_start3A_81 = arith.constant 0 : i32
        %dma_start3A_82 = tpu.memref_slice %arg11[%add3A_80, %dma_start3A_81] : memref<10240x48xf32, #tpu.memory_space<vmem_shared>> -> memref<128x48xf32, #tpu.memory_space<vmem_shared>>
        %dma_start3A_83 = arith.constant 0 : i32
        %dma_start3A_84 = tpu.memref_slice %arg11[%add3A_80, %dma_start3A_83] : memref<10240x48xf32, #tpu.memory_space<vmem_shared>> -> memref<128x48xf32, #tpu.memory_space<vmem_shared>>
        tpu.enqueue_dma source(%arg10 : memref<128x48xf32, #tpu.memory_space<vmem>>) target(%dma_start3A_84 : memref<128x48xf32, #tpu.memory_space<vmem_shared>>) target_semaphore(%run_scoped3A : memref<!tpu.dma_semaphore, #tpu.memory_space<semaphore_mem>>)
        %dma_wait3A_85 = arith.constant 0 : i32
        %dma_wait3A_86 = tpu.memref_slice %arg11[%add3A_80, %dma_wait3A_85] : memref<10240x48xf32, #tpu.memory_space<vmem_shared>> -> memref<128x48xf32, #tpu.memory_space<vmem_shared>>
        %dma_wait3A_87 = arith.constant 0 : i32
        %dma_wait3A_88 = tpu.memref_slice %arg11[%add3A_80, %dma_wait3A_87] : memref<10240x48xf32, #tpu.memory_space<vmem_shared>> -> memref<128x48xf32, #tpu.memory_space<vmem_shared>>
        tpu.wait_dma2 semaphore(%run_scoped3A : memref<!tpu.dma_semaphore, #tpu.memory_space<semaphore_mem>>) src(%arg10 : memref<128x48xf32, #tpu.memory_space<vmem>>) dst(%dma_wait3A_88 : memref<128x48xf32, #tpu.memory_space<vmem_shared>>)
        tpu.yield
      }) : () -> ()
    }
    %scan3A_39 = arith.constant 5 : i32
    %barrier3A = arith.constant 0 : index
    tpu.barrier barrier_id(%barrier3A)
    %dma_start3A_40 = arith.constant 0 : i32
    %dma_start3A_41 = arith.constant 0 : i32
    %dma_start3A_42 = tpu.memref_slice %arg6[%dma_start3A_40, %dma_start3A_41] : memref<81x128xi32, #tpu.memory_space<vmem>> -> memref<1x128xi32, #tpu.memory_space<vmem>>
    %dma_start3A_43 = tpu.memref_squeeze %dma_start3A_42 : memref<1x128xi32, #tpu.memory_space<vmem>> -> memref<128xi32, #tpu.memory_space<vmem>>
    %dma_start3A_44 = arith.constant 0 : i32
    %dma_start3A_45 = arith.constant 0 : i32
    %dma_start3A_46 = tpu.memref_slice %arg4[%dma_start3A_44, %dma_start3A_45] : memref<10000x48xf32, #tpu.memory_space<hbm>> -> memref<10000x48xf32, #tpu.memory_space<hbm>>
    tpu.enqueue_indirect_dma source(%dma_start3A_46 : memref<10000x48xf32, #tpu.memory_space<hbm>>) target(%arg8 : memref<128x48xf32, #tpu.memory_space<vmem>>) offsets(%dma_start3A_43 : memref<128xi32, #tpu.memory_space<vmem>>) semaphore(%arg12 : memref<!tpu.dma_semaphore, #tpu.memory_space<semaphore_mem>>)
    %dma_start3A_47 = arith.constant 1 : i32
    %dma_start3A_48 = arith.constant 0 : i32
    %dma_start3A_49 = tpu.memref_slice %arg6[%dma_start3A_47, %dma_start3A_48] : memref<81x128xi32, #tpu.memory_space<vmem>> -> memref<1x128xi32, #tpu.memory_space<vmem>>
    %dma_start3A_50 = tpu.memref_squeeze %dma_start3A_49 : memref<1x128xi32, #tpu.memory_space<vmem>> -> memref<128xi32, #tpu.memory_space<vmem>>
    %dma_start3A_51 = arith.constant 0 : i32
    %dma_start3A_52 = arith.constant 0 : i32
    %dma_start3A_53 = tpu.memref_slice %arg4[%dma_start3A_51, %dma_start3A_52] : memref<10000x48xf32, #tpu.memory_space<hbm>> -> memref<10000x48xf32, #tpu.memory_space<hbm>>
    tpu.enqueue_indirect_dma source(%dma_start3A_53 : memref<10000x48xf32, #tpu.memory_space<hbm>>) target(%arg9 : memref<128x48xf32, #tpu.memory_space<vmem>>) offsets(%dma_start3A_50 : memref<128xi32, #tpu.memory_space<vmem>>) semaphore(%arg13 : memref<!tpu.dma_semaphore, #tpu.memory_space<semaphore_mem>>)
    %dma_start3A_54 = arith.constant 2 : i32
    %dma_start3A_55 = arith.constant 0 : i32
    %dma_start3A_56 = tpu.memref_slice %arg6[%dma_start3A_54, %dma_start3A_55] : memref<81x128xi32, #tpu.memory_space<vmem>> -> memref<1x128xi32, #tpu.memory_space<vmem>>
    %dma_start3A_57 = tpu.memref_squeeze %dma_start3A_56 : memref<1x128xi32, #tpu.memory_space<vmem>> -> memref<128xi32, #tpu.memory_space<vmem>>
    %dma_start3A_58 = arith.constant 0 : i32
    %dma_start3A_59 = arith.constant 0 : i32
    %dma_start3A_60 = tpu.memref_slice %arg4[%dma_start3A_58, %dma_start3A_59] : memref<10000x48xf32, #tpu.memory_space<hbm>> -> memref<10000x48xf32, #tpu.memory_space<hbm>>
    tpu.enqueue_indirect_dma source(%dma_start3A_60 : memref<10000x48xf32, #tpu.memory_space<hbm>>) target(%arg10 : memref<128x48xf32, #tpu.memory_space<vmem>>) offsets(%dma_start3A_57 : memref<128xi32, #tpu.memory_space<vmem>>) semaphore(%arg14 : memref<!tpu.dma_semaphore, #tpu.memory_space<semaphore_mem>>)
    %scan3A_61 = arith.constant 0 : i32
    %scan3A_62 = arith.constant 27 : i32
    %scan3A_63 = arith.addi %scan3A_61, %scan3A_62 : i32
    %scan3A_64 = arith.constant 1 : i32
    scf.for %scan3A_71 = %scan3A_61 to %scan3A_63 step %scan3A_64  : i32 {
      %mul3A_72 = arith.constant 3 : i32
      %mul3A_73 = arith.muli %scan3A_71, %mul3A_72 : i32
      %add3A_74 = arith.constant 0 : i32
      %add3A_75 = arith.addi %add3A_74, %mul3A_73 : i32
      %add3A_76 = arith.constant 0 : i32
      %add3A_77 = arith.addi %add3A_75, %add3A_76 : i32
      %dma_wait3A_78 = arith.constant 0 : i32
      %dma_wait3A_79 = tpu.memref_slice %arg6[%add3A_77, %dma_wait3A_78] : memref<81x128xi32, #tpu.memory_space<vmem>> -> memref<1x128xi32, #tpu.memory_space<vmem>>
      %dma_wait3A_80 = tpu.memref_squeeze %dma_wait3A_79 : memref<1x128xi32, #tpu.memory_space<vmem>> -> memref<128xi32, #tpu.memory_space<vmem>>
      %dma_wait3A_81 = arith.constant 0 : i32
      %dma_wait3A_82 = arith.constant 0 : i32
      %dma_wait3A_83 = tpu.memref_slice %arg4[%dma_wait3A_81, %dma_wait3A_82] : memref<10000x48xf32, #tpu.memory_space<hbm>> -> memref<10000x48xf32, #tpu.memory_space<hbm>>
      tpu.wait_indirect_dma semaphore(%arg12 : memref<!tpu.dma_semaphore, #tpu.memory_space<semaphore_mem>>) src(%dma_wait3A_83 : memref<10000x48xf32, #tpu.memory_space<hbm>>) dst(%arg8 : memref<128x48xf32, #tpu.memory_space<vmem>>)
      %add3A_84 = arith.constant 0 : i32
      %add3A_85 = arith.addi %add3A_75, %add3A_84 : i32
      "tpu.region"() ({
        %run_scoped3A = tpu.sem_alloc : memref<!tpu.dma_semaphore, #tpu.memory_space<semaphore_mem>>
        %dma_start3A_130 = arith.constant 0 : i32
        %dma_start3A_131 = tpu.memref_slice %arg7[%add3A_85, %dma_start3A_130] : memref<81x128xi32, #tpu.memory_space<vmem>> -> memref<1x128xi32, #tpu.memory_space<vmem>>
        %dma_start3A_132 = tpu.memref_squeeze %dma_start3A_131 : memref<1x128xi32, #tpu.memory_space<vmem>> -> memref<128xi32, #tpu.memory_space<vmem>>
        %dma_start3A_133 = arith.constant 0 : i32
        %dma_start3A_134 = arith.constant 0 : i32
        %dma_start3A_135 = tpu.memref_slice %arg11[%dma_start3A_133, %dma_start3A_134] : memref<10240x48xf32, #tpu.memory_space<vmem_shared>> -> memref<10240x48xf32, #tpu.memory_space<vmem_shared>>
        tpu.enqueue_indirect_dma source(%arg8 : memref<128x48xf32, #tpu.memory_space<vmem>>) target(%dma_start3A_135 : memref<10240x48xf32, #tpu.memory_space<vmem_shared>>) offsets(%dma_start3A_132 : memref<128xi32, #tpu.memory_space<vmem>>) semaphore(%run_scoped3A : memref<!tpu.dma_semaphore, #tpu.memory_space<semaphore_mem>>) {add = true}
        %dma_wait3A_136 = arith.constant 0 : i32
        %dma_wait3A_137 = tpu.memref_slice %arg7[%add3A_85, %dma_wait3A_136] : memref<81x128xi32, #tpu.memory_space<vmem>> -> memref<1x128xi32, #tpu.memory_space<vmem>>
        %dma_wait3A_138 = tpu.memref_squeeze %dma_wait3A_137 : memref<1x128xi32, #tpu.memory_space<vmem>> -> memref<128xi32, #tpu.memory_space<vmem>>
        %dma_wait3A_139 = arith.constant 0 : i32
        %dma_wait3A_140 = arith.constant 0 : i32
        %dma_wait3A_141 = tpu.memref_slice %arg11[%dma_wait3A_139, %dma_wait3A_140] : memref<10240x48xf32, #tpu.memory_space<vmem_shared>> -> memref<10240x48xf32, #tpu.memory_space<vmem_shared>>
        tpu.wait_indirect_dma semaphore(%run_scoped3A : memref<!tpu.dma_semaphore, #tpu.memory_space<semaphore_mem>>) src(%arg8 : memref<128x48xf32, #tpu.memory_space<vmem>>) dst(%dma_wait3A_141 : memref<10240x48xf32, #tpu.memory_space<vmem_shared>>)
        tpu.yield
      }) : () -> ()
      %add3A_86 = arith.constant 0 : i32
      %add3A_87 = arith.addi %add3A_75, %add3A_86 : i32
      %add3A_88 = arith.constant 3 : i32
      %add3A_89 = arith.addi %add3A_87, %add3A_88 : i32
      %lt3A = arith.constant 81 : i32
      %lt3A_90 = arith.cmpi slt, %add3A_89, %lt3A : i32
      %convert_element_type3A = arith.extui %lt3A_90 : i1 to i32
      %cond3A = arith.constant 0 : i32
      %cond3A_91 = arith.cmpi ne, %convert_element_type3A, %cond3A : i32
      scf.if %cond3A_91 {
        %add3A_130 = arith.constant 0 : i32
        %add3A_131 = arith.addi %add3A_75, %add3A_130 : i32
        %add3A_132 = arith.constant 3 : i32
        %add3A_133 = arith.addi %add3A_131, %add3A_132 : i32
        %dma_start3A_134 = arith.constant 0 : i32
        %dma_start3A_135 = tpu.memref_slice %arg6[%add3A_133, %dma_start3A_134] : memref<81x128xi32, #tpu.memory_space<vmem>> -> memref<1x128xi32, #tpu.memory_space<vmem>>
        %dma_start3A_136 = tpu.memref_squeeze %dma_start3A_135 : memref<1x128xi32, #tpu.memory_space<vmem>> -> memref<128xi32, #tpu.memory_space<vmem>>
        %dma_start3A_137 = arith.constant 0 : i32
        %dma_start3A_138 = arith.constant 0 : i32
        %dma_start3A_139 = tpu.memref_slice %arg4[%dma_start3A_137, %dma_start3A_138] : memref<10000x48xf32, #tpu.memory_space<hbm>> -> memref<10000x48xf32, #tpu.memory_space<hbm>>
        tpu.enqueue_indirect_dma source(%dma_start3A_139 : memref<10000x48xf32, #tpu.memory_space<hbm>>) target(%arg8 : memref<128x48xf32, #tpu.memory_space<vmem>>) offsets(%dma_start3A_136 : memref<128xi32, #tpu.memory_space<vmem>>) semaphore(%arg12 : memref<!tpu.dma_semaphore, #tpu.memory_space<semaphore_mem>>)
      } else {
      }
      %add3A_92 = arith.constant 1 : i32
      %add3A_93 = arith.addi %add3A_75, %add3A_92 : i32
      %dma_wait3A_94 = arith.constant 0 : i32
      %dma_wait3A_95 = tpu.memref_slice %arg6[%add3A_93, %dma_wait3A_94] : memref<81x128xi32, #tpu.memory_space<vmem>> -> memref<1x128xi32, #tpu.memory_space<vmem>>
      %dma_wait3A_96 = tpu.memref_squeeze %dma_wait3A_95 : memref<1x128xi32, #tpu.memory_space<vmem>> -> memref<128xi32, #tpu.memory_space<vmem>>
      %dma_wait3A_97 = arith.constant 0 : i32
      %dma_wait3A_98 = arith.constant 0 : i32
      %dma_wait3A_99 = tpu.memref_slice %arg4[%dma_wait3A_97, %dma_wait3A_98] : memref<10000x48xf32, #tpu.memory_space<hbm>> -> memref<10000x48xf32, #tpu.memory_space<hbm>>
      tpu.wait_indirect_dma semaphore(%arg13 : memref<!tpu.dma_semaphore, #tpu.memory_space<semaphore_mem>>) src(%dma_wait3A_99 : memref<10000x48xf32, #tpu.memory_space<hbm>>) dst(%arg9 : memref<128x48xf32, #tpu.memory_space<vmem>>)
      %add3A_100 = arith.constant 1 : i32
      %add3A_101 = arith.addi %add3A_75, %add3A_100 : i32
      "tpu.region"() ({
        %run_scoped3A = tpu.sem_alloc : memref<!tpu.dma_semaphore, #tpu.memory_space<semaphore_mem>>
        %dma_start3A_130 = arith.constant 0 : i32
        %dma_start3A_131 = tpu.memref_slice %arg7[%add3A_101, %dma_start3A_130] : memref<81x128xi32, #tpu.memory_space<vmem>> -> memref<1x128xi32, #tpu.memory_space<vmem>>
        %dma_start3A_132 = tpu.memref_squeeze %dma_start3A_131 : memref<1x128xi32, #tpu.memory_space<vmem>> -> memref<128xi32, #tpu.memory_space<vmem>>
        %dma_start3A_133 = arith.constant 0 : i32
        %dma_start3A_134 = arith.constant 0 : i32
        %dma_start3A_135 = tpu.memref_slice %arg11[%dma_start3A_133, %dma_start3A_134] : memref<10240x48xf32, #tpu.memory_space<vmem_shared>> -> memref<10240x48xf32, #tpu.memory_space<vmem_shared>>
        tpu.enqueue_indirect_dma source(%arg9 : memref<128x48xf32, #tpu.memory_space<vmem>>) target(%dma_start3A_135 : memref<10240x48xf32, #tpu.memory_space<vmem_shared>>) offsets(%dma_start3A_132 : memref<128xi32, #tpu.memory_space<vmem>>) semaphore(%run_scoped3A : memref<!tpu.dma_semaphore, #tpu.memory_space<semaphore_mem>>) {add = true}
        %dma_wait3A_136 = arith.constant 0 : i32
        %dma_wait3A_137 = tpu.memref_slice %arg7[%add3A_101, %dma_wait3A_136] : memref<81x128xi32, #tpu.memory_space<vmem>> -> memref<1x128xi32, #tpu.memory_space<vmem>>
        %dma_wait3A_138 = tpu.memref_squeeze %dma_wait3A_137 : memref<1x128xi32, #tpu.memory_space<vmem>> -> memref<128xi32, #tpu.memory_space<vmem>>
        %dma_wait3A_139 = arith.constant 0 : i32
        %dma_wait3A_140 = arith.constant 0 : i32
        %dma_wait3A_141 = tpu.memref_slice %arg11[%dma_wait3A_139, %dma_wait3A_140] : memref<10240x48xf32, #tpu.memory_space<vmem_shared>> -> memref<10240x48xf32, #tpu.memory_space<vmem_shared>>
        tpu.wait_indirect_dma semaphore(%run_scoped3A : memref<!tpu.dma_semaphore, #tpu.memory_space<semaphore_mem>>) src(%arg9 : memref<128x48xf32, #tpu.memory_space<vmem>>) dst(%dma_wait3A_141 : memref<10240x48xf32, #tpu.memory_space<vmem_shared>>)
        tpu.yield
      }) : () -> ()
      %add3A_102 = arith.constant 1 : i32
      %add3A_103 = arith.addi %add3A_75, %add3A_102 : i32
      %add3A_104 = arith.constant 3 : i32
      %add3A_105 = arith.addi %add3A_103, %add3A_104 : i32
      %lt3A_106 = arith.constant 81 : i32
      %lt3A_107 = arith.cmpi slt, %add3A_105, %lt3A_106 : i32
      %convert_element_type3A_108 = arith.extui %lt3A_107 : i1 to i32
      %cond3A_109 = arith.constant 0 : i32
      %cond3A_110 = arith.cmpi ne, %convert_element_type3A_108, %cond3A_109 : i32
      scf.if %cond3A_110 {
        %add3A_130 = arith.constant 1 : i32
        %add3A_131 = arith.addi %add3A_75, %add3A_130 : i32
        %add3A_132 = arith.constant 3 : i32
        %add3A_133 = arith.addi %add3A_131, %add3A_132 : i32
        %dma_start3A_134 = arith.constant 0 : i32
        %dma_start3A_135 = tpu.memref_slice %arg6[%add3A_133, %dma_start3A_134] : memref<81x128xi32, #tpu.memory_space<vmem>> -> memref<1x128xi32, #tpu.memory_space<vmem>>
        %dma_start3A_136 = tpu.memref_squeeze %dma_start3A_135 : memref<1x128xi32, #tpu.memory_space<vmem>> -> memref<128xi32, #tpu.memory_space<vmem>>
        %dma_start3A_137 = arith.constant 0 : i32
        %dma_start3A_138 = arith.constant 0 : i32
        %dma_start3A_139 = tpu.memref_slice %arg4[%dma_start3A_137, %dma_start3A_138] : memref<10000x48xf32, #tpu.memory_space<hbm>> -> memref<10000x48xf32, #tpu.memory_space<hbm>>
        tpu.enqueue_indirect_dma source(%dma_start3A_139 : memref<10000x48xf32, #tpu.memory_space<hbm>>) target(%arg9 : memref<128x48xf32, #tpu.memory_space<vmem>>) offsets(%dma_start3A_136 : memref<128xi32, #tpu.memory_space<vmem>>) semaphore(%arg13 : memref<!tpu.dma_semaphore, #tpu.memory_space<semaphore_mem>>)
      } else {
      }
      %add3A_111 = arith.constant 2 : i32
      %add3A_112 = arith.addi %add3A_75, %add3A_111 : i32
      %dma_wait3A_113 = arith.constant 0 : i32
      %dma_wait3A_114 = tpu.memref_slice %arg6[%add3A_112, %dma_wait3A_113] : memref<81x128xi32, #tpu.memory_space<vmem>> -> memref<1x128xi32, #tpu.memory_space<vmem>>
      %dma_wait3A_115 = tpu.memref_squeeze %dma_wait3A_114 : memref<1x128xi32, #tpu.memory_space<vmem>> -> memref<128xi32, #tpu.memory_space<vmem>>
      %dma_wait3A_116 = arith.constant 0 : i32
      %dma_wait3A_117 = arith.constant 0 : i32
      %dma_wait3A_118 = tpu.memref_slice %arg4[%dma_wait3A_116, %dma_wait3A_117] : memref<10000x48xf32, #tpu.memory_space<hbm>> -> memref<10000x48xf32, #tpu.memory_space<hbm>>
      tpu.wait_indirect_dma semaphore(%arg14 : memref<!tpu.dma_semaphore, #tpu.memory_space<semaphore_mem>>) src(%dma_wait3A_118 : memref<10000x48xf32, #tpu.memory_space<hbm>>) dst(%arg10 : memref<128x48xf32, #tpu.memory_space<vmem>>)
      %add3A_119 = arith.constant 2 : i32
      %add3A_120 = arith.addi %add3A_75, %add3A_119 : i32
      "tpu.region"() ({
        %run_scoped3A = tpu.sem_alloc : memref<!tpu.dma_semaphore, #tpu.memory_space<semaphore_mem>>
        %dma_start3A_130 = arith.constant 0 : i32
        %dma_start3A_131 = tpu.memref_slice %arg7[%add3A_120, %dma_start3A_130] : memref<81x128xi32, #tpu.memory_space<vmem>> -> memref<1x128xi32, #tpu.memory_space<vmem>>
        %dma_start3A_132 = tpu.memref_squeeze %dma_start3A_131 : memref<1x128xi32, #tpu.memory_space<vmem>> -> memref<128xi32, #tpu.memory_space<vmem>>
        %dma_start3A_133 = arith.constant 0 : i32
        %dma_start3A_134 = arith.constant 0 : i32
        %dma_start3A_135 = tpu.memref_slice %arg11[%dma_start3A_133, %dma_start3A_134] : memref<10240x48xf32, #tpu.memory_space<vmem_shared>> -> memref<10240x48xf32, #tpu.memory_space<vmem_shared>>
        tpu.enqueue_indirect_dma source(%arg10 : memref<128x48xf32, #tpu.memory_space<vmem>>) target(%dma_start3A_135 : memref<10240x48xf32, #tpu.memory_space<vmem_shared>>) offsets(%dma_start3A_132 : memref<128xi32, #tpu.memory_space<vmem>>) semaphore(%run_scoped3A : memref<!tpu.dma_semaphore, #tpu.memory_space<semaphore_mem>>) {add = true}
        %dma_wait3A_136 = arith.constant 0 : i32
        %dma_wait3A_137 = tpu.memref_slice %arg7[%add3A_120, %dma_wait3A_136] : memref<81x128xi32, #tpu.memory_space<vmem>> -> memref<1x128xi32, #tpu.memory_space<vmem>>
        %dma_wait3A_138 = tpu.memref_squeeze %dma_wait3A_137 : memref<1x128xi32, #tpu.memory_space<vmem>> -> memref<128xi32, #tpu.memory_space<vmem>>
        %dma_wait3A_139 = arith.constant 0 : i32
        %dma_wait3A_140 = arith.constant 0 : i32
        %dma_wait3A_141 = tpu.memref_slice %arg11[%dma_wait3A_139, %dma_wait3A_140] : memref<10240x48xf32, #tpu.memory_space<vmem_shared>> -> memref<10240x48xf32, #tpu.memory_space<vmem_shared>>
        tpu.wait_indirect_dma semaphore(%run_scoped3A : memref<!tpu.dma_semaphore, #tpu.memory_space<semaphore_mem>>) src(%arg10 : memref<128x48xf32, #tpu.memory_space<vmem>>) dst(%dma_wait3A_141 : memref<10240x48xf32, #tpu.memory_space<vmem_shared>>)
        tpu.yield
      }) : () -> ()
      %add3A_121 = arith.constant 2 : i32
      %add3A_122 = arith.addi %add3A_75, %add3A_121 : i32
      %add3A_123 = arith.constant 3 : i32
      %add3A_124 = arith.addi %add3A_122, %add3A_123 : i32
      %lt3A_125 = arith.constant 81 : i32
      %lt3A_126 = arith.cmpi slt, %add3A_124, %lt3A_125 : i32
      %convert_element_type3A_127 = arith.extui %lt3A_126 : i1 to i32
      %cond3A_128 = arith.constant 0 : i32
      %cond3A_129 = arith.cmpi ne, %convert_element_type3A_127, %cond3A_128 : i32
      scf.if %cond3A_129 {
        %add3A_130 = arith.constant 2 : i32
        %add3A_131 = arith.addi %add3A_75, %add3A_130 : i32
        %add3A_132 = arith.constant 3 : i32
        %add3A_133 = arith.addi %add3A_131, %add3A_132 : i32
        %dma_start3A_134 = arith.constant 0 : i32
        %dma_start3A_135 = tpu.memref_slice %arg6[%add3A_133, %dma_start3A_134] : memref<81x128xi32, #tpu.memory_space<vmem>> -> memref<1x128xi32, #tpu.memory_space<vmem>>
        %dma_start3A_136 = tpu.memref_squeeze %dma_start3A_135 : memref<1x128xi32, #tpu.memory_space<vmem>> -> memref<128xi32, #tpu.memory_space<vmem>>
        %dma_start3A_137 = arith.constant 0 : i32
        %dma_start3A_138 = arith.constant 0 : i32
        %dma_start3A_139 = tpu.memref_slice %arg4[%dma_start3A_137, %dma_start3A_138] : memref<10000x48xf32, #tpu.memory_space<hbm>> -> memref<10000x48xf32, #tpu.memory_space<hbm>>
        tpu.enqueue_indirect_dma source(%dma_start3A_139 : memref<10000x48xf32, #tpu.memory_space<hbm>>) target(%arg10 : memref<128x48xf32, #tpu.memory_space<vmem>>) offsets(%dma_start3A_136 : memref<128xi32, #tpu.memory_space<vmem>>) semaphore(%arg14 : memref<!tpu.dma_semaphore, #tpu.memory_space<semaphore_mem>>)
      } else {
      }
    }
    %scan3A_65 = arith.constant 27 : i32
    %barrier3A_66 = arith.constant 0 : index
    tpu.barrier barrier_id(%barrier3A_66)
    %mul3A_67 = arith.constant 640 : i32
    %mul3A_68 = arith.muli %arg1, %mul3A_67 : i32
    %mul3A_69 = arith.constant 640 : i32
    %mul3A_70 = arith.muli %arg1, %mul3A_69 : i32
    "tpu.region"() ({
      %run_scoped3A = tpu.sem_alloc : memref<!tpu.dma_semaphore, #tpu.memory_space<semaphore_mem>>
      %dma_start3A_71 = arith.constant 0 : i32
      %dma_start3A_72 = arith.constant 0 : i32
      %dma_start3A_73 = tpu.memref_slice %arg5[%arg0, %dma_start3A_71, %dma_start3A_72] : memref<2x10240x48xf32, #tpu.memory_space<hbm>> -> memref<1x10240x48xf32, #tpu.memory_space<hbm>>
      %dma_start3A_74 = tpu.memref_squeeze %dma_start3A_73 : memref<1x10240x48xf32, #tpu.memory_space<hbm>> -> memref<10240x48xf32, #tpu.memory_space<hbm>>
      %dma_start3A_75 = arith.constant 0 : i32
      %dma_start3A_76 = tpu.memref_slice %dma_start3A_74[%mul3A_70, %dma_start3A_75] : memref<10240x48xf32, #tpu.memory_space<hbm>> -> memref<640x48xf32, #tpu.memory_space<hbm>>
      %dma_start3A_77 = arith.constant 0 : i32
      %dma_start3A_78 = tpu.memref_slice %arg11[%mul3A_68, %dma_start3A_77] : memref<10240x48xf32, #tpu.memory_space<vmem_shared>> -> memref<640x48xf32, #tpu.memory_space<vmem_shared>>
      tpu.enqueue_dma source(%dma_start3A_78 : memref<640x48xf32, #tpu.memory_space<vmem_shared>>) target(%dma_start3A_76 : memref<640x48xf32, #tpu.memory_space<hbm>>) target_semaphore(%run_scoped3A : memref<!tpu.dma_semaphore, #tpu.memory_space<semaphore_mem>>)
      %dma_wait3A_79 = arith.constant 0 : i32
      %dma_wait3A_80 = arith.constant 0 : i32
      %dma_wait3A_81 = tpu.memref_slice %arg5[%arg0, %dma_wait3A_79, %dma_wait3A_80] : memref<2x10240x48xf32, #tpu.memory_space<hbm>> -> memref<1x10240x48xf32, #tpu.memory_space<hbm>>
      %dma_wait3A_82 = tpu.memref_squeeze %dma_wait3A_81 : memref<1x10240x48xf32, #tpu.memory_space<hbm>> -> memref<10240x48xf32, #tpu.memory_space<hbm>>
      %dma_wait3A_83 = arith.constant 0 : i32
      %dma_wait3A_84 = tpu.memref_slice %dma_wait3A_82[%mul3A_70, %dma_wait3A_83] : memref<10240x48xf32, #tpu.memory_space<hbm>> -> memref<640x48xf32, #tpu.memory_space<hbm>>
      %dma_wait3A_85 = arith.constant 0 : i32
      %dma_wait3A_86 = tpu.memref_slice %arg11[%mul3A_68, %dma_wait3A_85] : memref<10240x48xf32, #tpu.memory_space<vmem_shared>> -> memref<640x48xf32, #tpu.memory_space<vmem_shared>>
      tpu.wait_dma2 semaphore(%run_scoped3A : memref<!tpu.dma_semaphore, #tpu.memory_space<semaphore_mem>>) src(%dma_wait3A_86 : memref<640x48xf32, #tpu.memory_space<vmem_shared>>) dst(%dma_wait3A_84 : memref<640x48xf32, #tpu.memory_space<hbm>>)
      tpu.yield
    }) : () -> ()
    return
  }
}

#map = affine_map<(d0, d1) -> (0, 0, 0)>
module attributes {stable_mosaic.version = 14 : i64} {
  func.func @hist_kernel(%arg0: i32, %arg1: i32, %arg2: memref<32x81x128xi32, #tpu.memory_space<hbm>>, %arg3: memref<2x10240x16xf32, #tpu.memory_space<hbm>>, %arg4: memref<81x128xi32, #tpu.memory_space<vmem>>, %arg5: memref<128x16xf32, #tpu.memory_space<vmem>>, %arg6: memref<128x16xf32, #tpu.memory_space<vmem>>, %arg7: memref<10240x16xf32, #tpu.memory_space<vmem_shared>>, %arg8: memref<!tpu.dma_semaphore, #tpu.memory_space<semaphore_mem>>) attributes {dimension_semantics = [#tpu.dimension_semantics<core_parallel>, #tpu.dimension_semantics<subcore_parallel>], iteration_bounds = array<i64: 2, 16>, scalar_prefetch = 0 : i64, scratch_operands = 5 : i64, tpu.core_type = #tpu.core_type<sc_vector_subcore>, window_params = [{transform_indices = #map}, {transform_indices = #map}]} {
    %mul3A = arith.constant 16 : i32
    %mul3A_0 = arith.muli %arg0, %mul3A : i32
    %add3A = arith.addi %mul3A_0, %arg1 : i32
    %dma_start3A = arith.constant 0 : i32
    %dma_start3A_1 = arith.constant 0 : i32
    %dma_start3A_2 = tpu.memref_slice %arg2[%add3A, %dma_start3A, %dma_start3A_1] : memref<32x81x128xi32, #tpu.memory_space<hbm>> -> memref<1x81x128xi32, #tpu.memory_space<hbm>>
    %dma_start3A_3 = tpu.memref_squeeze %dma_start3A_2 : memref<1x81x128xi32, #tpu.memory_space<hbm>> -> memref<81x128xi32, #tpu.memory_space<hbm>>
    %dma_start3A_4 = arith.constant 0 : i32
    %dma_start3A_5 = arith.constant 0 : i32
    %dma_start3A_6 = tpu.memref_slice %arg2[%add3A, %dma_start3A_4, %dma_start3A_5] : memref<32x81x128xi32, #tpu.memory_space<hbm>> -> memref<1x81x128xi32, #tpu.memory_space<hbm>>
    %dma_start3A_7 = tpu.memref_squeeze %dma_start3A_6 : memref<1x81x128xi32, #tpu.memory_space<hbm>> -> memref<81x128xi32, #tpu.memory_space<hbm>>
    tpu.enqueue_dma source(%dma_start3A_7 : memref<81x128xi32, #tpu.memory_space<hbm>>) target(%arg4 : memref<81x128xi32, #tpu.memory_space<vmem>>) target_semaphore(%arg8 : memref<!tpu.dma_semaphore, #tpu.memory_space<semaphore_mem>>)
    %dma_wait3A = arith.constant 0 : i32
    %dma_wait3A_8 = arith.constant 0 : i32
    %dma_wait3A_9 = tpu.memref_slice %arg2[%add3A, %dma_wait3A, %dma_wait3A_8] : memref<32x81x128xi32, #tpu.memory_space<hbm>> -> memref<1x81x128xi32, #tpu.memory_space<hbm>>
    %dma_wait3A_10 = tpu.memref_squeeze %dma_wait3A_9 : memref<1x81x128xi32, #tpu.memory_space<hbm>> -> memref<81x128xi32, #tpu.memory_space<hbm>>
    %dma_wait3A_11 = arith.constant 0 : i32
    %dma_wait3A_12 = arith.constant 0 : i32
    %dma_wait3A_13 = tpu.memref_slice %arg2[%add3A, %dma_wait3A_11, %dma_wait3A_12] : memref<32x81x128xi32, #tpu.memory_space<hbm>> -> memref<1x81x128xi32, #tpu.memory_space<hbm>>
    %dma_wait3A_14 = tpu.memref_squeeze %dma_wait3A_13 : memref<1x81x128xi32, #tpu.memory_space<hbm>> -> memref<81x128xi32, #tpu.memory_space<hbm>>
    tpu.wait_dma2 semaphore(%arg8 : memref<!tpu.dma_semaphore, #tpu.memory_space<semaphore_mem>>) src(%dma_wait3A_14 : memref<81x128xi32, #tpu.memory_space<hbm>>) dst(%arg4 : memref<81x128xi32, #tpu.memory_space<vmem>>)
    %scan3A = arith.constant 0 : i32
    %scan3A_15 = arith.constant 128 : i32
    %scan3A_16 = arith.addi %scan3A, %scan3A_15 : i32
    %scan3A_17 = arith.constant 1 : i32
    scf.for %scan3A_34 = %scan3A to %scan3A_16 step %scan3A_17  : i32 {
      %mul3A_35 = arith.constant 1 : i32
      %mul3A_36 = arith.muli %scan3A_34, %mul3A_35 : i32
      %add3A_37 = arith.constant 0 : i32
      %add3A_38 = arith.addi %add3A_37, %mul3A_36 : i32
      %broadcast_in_dim3A = arith.constant 1.000000e+00 : f32
      %broadcast_in_dim3A_39 = vector.broadcast %broadcast_in_dim3A : f32 to vector<16xf32>
      %swap3A = arith.index_cast %add3A_38 : i32 to index
      %swap3A_40 = arith.constant 0 : index
      %swap3A_41 = tpu.vector_load %arg5[%swap3A, %swap3A_40] {strides = array<i32>} : memref<128x16xf32, #tpu.memory_space<vmem>>, vector<1x16xf32>,
      %swap3A_42 = vector.shape_cast %swap3A_41 : vector<1x16xf32> to vector<16xf32>
      %swap3A_43 = vector.shape_cast %broadcast_in_dim3A_39 : vector<16xf32> to vector<1x16xf32>
      tpu.vector_store %arg5[%swap3A, %swap3A_40], %swap3A_43 {strides = array<i32>} : memref<128x16xf32, #tpu.memory_space<vmem>>, vector<1x16xf32>,
      %broadcast_in_dim3A_44 = arith.constant 0.000000e+00 : f32
      %broadcast_in_dim3A_45 = vector.broadcast %broadcast_in_dim3A_44 : f32 to vector<16xf32>
      %swap3A_46 = arith.index_cast %add3A_38 : i32 to index
      %swap3A_47 = arith.constant 0 : index
      %swap3A_48 = tpu.vector_load %arg6[%swap3A_46, %swap3A_47] {strides = array<i32>} : memref<128x16xf32, #tpu.memory_space<vmem>>, vector<1x16xf32>,
      %swap3A_49 = vector.shape_cast %swap3A_48 : vector<1x16xf32> to vector<16xf32>
      %swap3A_50 = vector.shape_cast %broadcast_in_dim3A_45 : vector<16xf32> to vector<1x16xf32>
      tpu.vector_store %arg6[%swap3A_46, %swap3A_47], %swap3A_50 {strides = array<i32>} : memref<128x16xf32, #tpu.memory_space<vmem>>, vector<1x16xf32>,
    }
    %scan3A_18 = arith.constant 128 : i32
    %scan3A_19 = arith.constant 0 : i32
    %scan3A_20 = arith.constant 5 : i32
    %scan3A_21 = arith.addi %scan3A_19, %scan3A_20 : i32
    %scan3A_22 = arith.constant 1 : i32
    scf.for %scan3A_34 = %scan3A_19 to %scan3A_21 step %scan3A_22  : i32 {
      %mul3A_35 = arith.constant 1 : i32
      %mul3A_36 = arith.muli %scan3A_34, %mul3A_35 : i32
      %add3A_37 = arith.constant 0 : i32
      %add3A_38 = arith.addi %add3A_37, %mul3A_36 : i32
      %mul3A_39 = arith.constant 640 : i32
      %mul3A_40 = arith.muli %arg1, %mul3A_39 : i32
      %mul3A_41 = arith.constant 128 : i32
      %mul3A_42 = arith.muli %add3A_38, %mul3A_41 : i32
      %add3A_43 = arith.addi %mul3A_40, %mul3A_42 : i32
      "tpu.region"() ({
        %run_scoped3A = tpu.sem_alloc : memref<!tpu.dma_semaphore, #tpu.memory_space<semaphore_mem>>
        %dma_start3A_44 = arith.constant 0 : i32
        %dma_start3A_45 = tpu.memref_slice %arg7[%add3A_43, %dma_start3A_44] : memref<10240x16xf32, #tpu.memory_space<vmem_shared>> -> memref<128x16xf32, #tpu.memory_space<vmem_shared>>
        %dma_start3A_46 = arith.constant 0 : i32
        %dma_start3A_47 = tpu.memref_slice %arg7[%add3A_43, %dma_start3A_46] : memref<10240x16xf32, #tpu.memory_space<vmem_shared>> -> memref<128x16xf32, #tpu.memory_space<vmem_shared>>
        tpu.enqueue_dma source(%arg6 : memref<128x16xf32, #tpu.memory_space<vmem>>) target(%dma_start3A_47 : memref<128x16xf32, #tpu.memory_space<vmem_shared>>) target_semaphore(%run_scoped3A : memref<!tpu.dma_semaphore, #tpu.memory_space<semaphore_mem>>)
        %dma_wait3A_48 = arith.constant 0 : i32
        %dma_wait3A_49 = tpu.memref_slice %arg7[%add3A_43, %dma_wait3A_48] : memref<10240x16xf32, #tpu.memory_space<vmem_shared>> -> memref<128x16xf32, #tpu.memory_space<vmem_shared>>
        %dma_wait3A_50 = arith.constant 0 : i32
        %dma_wait3A_51 = tpu.memref_slice %arg7[%add3A_43, %dma_wait3A_50] : memref<10240x16xf32, #tpu.memory_space<vmem_shared>> -> memref<128x16xf32, #tpu.memory_space<vmem_shared>>
        tpu.wait_dma2 semaphore(%run_scoped3A : memref<!tpu.dma_semaphore, #tpu.memory_space<semaphore_mem>>) src(%arg6 : memref<128x16xf32, #tpu.memory_space<vmem>>) dst(%dma_wait3A_51 : memref<128x16xf32, #tpu.memory_space<vmem_shared>>)
        tpu.yield
      }) : () -> ()
    }
    %scan3A_23 = arith.constant 5 : i32
    %barrier3A = arith.constant 0 : index
    tpu.barrier barrier_id(%barrier3A)
    %scan3A_24 = arith.constant 0 : i32
    %scan3A_25 = arith.constant 81 : i32
    %scan3A_26 = arith.addi %scan3A_24, %scan3A_25 : i32
    %scan3A_27 = arith.constant 1 : i32
    scf.for %scan3A_34 = %scan3A_24 to %scan3A_26 step %scan3A_27  : i32 {
      %mul3A_35 = arith.constant 1 : i32
      %mul3A_36 = arith.muli %scan3A_34, %mul3A_35 : i32
      %add3A_37 = arith.constant 0 : i32
      %add3A_38 = arith.addi %add3A_37, %mul3A_36 : i32
      "tpu.region"() ({
        %run_scoped3A = tpu.sem_alloc : memref<!tpu.dma_semaphore, #tpu.memory_space<semaphore_mem>>
        %dma_start3A_39 = arith.constant 0 : i32
        %dma_start3A_40 = tpu.memref_slice %arg4[%add3A_38, %dma_start3A_39] : memref<81x128xi32, #tpu.memory_space<vmem>> -> memref<1x128xi32, #tpu.memory_space<vmem>>
        %dma_start3A_41 = tpu.memref_squeeze %dma_start3A_40 : memref<1x128xi32, #tpu.memory_space<vmem>> -> memref<128xi32, #tpu.memory_space<vmem>>
        %dma_start3A_42 = arith.constant 0 : i32
        %dma_start3A_43 = arith.constant 0 : i32
        %dma_start3A_44 = tpu.memref_slice %arg7[%dma_start3A_42, %dma_start3A_43] : memref<10240x16xf32, #tpu.memory_space<vmem_shared>> -> memref<10240x16xf32, #tpu.memory_space<vmem_shared>>
        tpu.enqueue_indirect_dma source(%arg5 : memref<128x16xf32, #tpu.memory_space<vmem>>) target(%dma_start3A_44 : memref<10240x16xf32, #tpu.memory_space<vmem_shared>>) offsets(%dma_start3A_41 : memref<128xi32, #tpu.memory_space<vmem>>) semaphore(%run_scoped3A : memref<!tpu.dma_semaphore, #tpu.memory_space<semaphore_mem>>) {add = true}
        %dma_wait3A_45 = arith.constant 0 : i32
        %dma_wait3A_46 = tpu.memref_slice %arg4[%add3A_38, %dma_wait3A_45] : memref<81x128xi32, #tpu.memory_space<vmem>> -> memref<1x128xi32, #tpu.memory_space<vmem>>
        %dma_wait3A_47 = tpu.memref_squeeze %dma_wait3A_46 : memref<1x128xi32, #tpu.memory_space<vmem>> -> memref<128xi32, #tpu.memory_space<vmem>>
        %dma_wait3A_48 = arith.constant 0 : i32
        %dma_wait3A_49 = arith.constant 0 : i32
        %dma_wait3A_50 = tpu.memref_slice %arg7[%dma_wait3A_48, %dma_wait3A_49] : memref<10240x16xf32, #tpu.memory_space<vmem_shared>> -> memref<10240x16xf32, #tpu.memory_space<vmem_shared>>
        tpu.wait_indirect_dma semaphore(%run_scoped3A : memref<!tpu.dma_semaphore, #tpu.memory_space<semaphore_mem>>) src(%arg5 : memref<128x16xf32, #tpu.memory_space<vmem>>) dst(%dma_wait3A_50 : memref<10240x16xf32, #tpu.memory_space<vmem_shared>>)
        tpu.yield
      }) : () -> ()
    }
    %scan3A_28 = arith.constant 81 : i32
    %barrier3A_29 = arith.constant 0 : index
    tpu.barrier barrier_id(%barrier3A_29)
    %mul3A_30 = arith.constant 640 : i32
    %mul3A_31 = arith.muli %arg1, %mul3A_30 : i32
    %mul3A_32 = arith.constant 640 : i32
    %mul3A_33 = arith.muli %arg1, %mul3A_32 : i32
    "tpu.region"() ({
      %run_scoped3A = tpu.sem_alloc : memref<!tpu.dma_semaphore, #tpu.memory_space<semaphore_mem>>
      %dma_start3A_34 = arith.constant 0 : i32
      %dma_start3A_35 = arith.constant 0 : i32
      %dma_start3A_36 = tpu.memref_slice %arg3[%arg0, %dma_start3A_34, %dma_start3A_35] : memref<2x10240x16xf32, #tpu.memory_space<hbm>> -> memref<1x10240x16xf32, #tpu.memory_space<hbm>>
      %dma_start3A_37 = tpu.memref_squeeze %dma_start3A_36 : memref<1x10240x16xf32, #tpu.memory_space<hbm>> -> memref<10240x16xf32, #tpu.memory_space<hbm>>
      %dma_start3A_38 = arith.constant 0 : i32
      %dma_start3A_39 = tpu.memref_slice %dma_start3A_37[%mul3A_33, %dma_start3A_38] : memref<10240x16xf32, #tpu.memory_space<hbm>> -> memref<640x16xf32, #tpu.memory_space<hbm>>
      %dma_start3A_40 = arith.constant 0 : i32
      %dma_start3A_41 = tpu.memref_slice %arg7[%mul3A_31, %dma_start3A_40] : memref<10240x16xf32, #tpu.memory_space<vmem_shared>> -> memref<640x16xf32, #tpu.memory_space<vmem_shared>>
      tpu.enqueue_dma source(%dma_start3A_41 : memref<640x16xf32, #tpu.memory_space<vmem_shared>>) target(%dma_start3A_39 : memref<640x16xf32, #tpu.memory_space<hbm>>) target_semaphore(%run_scoped3A : memref<!tpu.dma_semaphore, #tpu.memory_space<semaphore_mem>>)
      %dma_wait3A_42 = arith.constant 0 : i32
      %dma_wait3A_43 = arith.constant 0 : i32
      %dma_wait3A_44 = tpu.memref_slice %arg3[%arg0, %dma_wait3A_42, %dma_wait3A_43] : memref<2x10240x16xf32, #tpu.memory_space<hbm>> -> memref<1x10240x16xf32, #tpu.memory_space<hbm>>
      %dma_wait3A_45 = tpu.memref_squeeze %dma_wait3A_44 : memref<1x10240x16xf32, #tpu.memory_space<hbm>> -> memref<10240x16xf32, #tpu.memory_space<hbm>>
      %dma_wait3A_46 = arith.constant 0 : i32
      %dma_wait3A_47 = tpu.memref_slice %dma_wait3A_45[%mul3A_33, %dma_wait3A_46] : memref<10240x16xf32, #tpu.memory_space<hbm>> -> memref<640x16xf32, #tpu.memory_space<hbm>>
      %dma_wait3A_48 = arith.constant 0 : i32
      %dma_wait3A_49 = tpu.memref_slice %arg7[%mul3A_31, %dma_wait3A_48] : memref<10240x16xf32, #tpu.memory_space<vmem_shared>> -> memref<640x16xf32, #tpu.memory_space<vmem_shared>>
      tpu.wait_dma2 semaphore(%run_scoped3A : memref<!tpu.dma_semaphore, #tpu.memory_space<semaphore_mem>>) src(%dma_wait3A_49 : memref<640x16xf32, #tpu.memory_space<vmem_shared>>) dst(%dma_wait3A_47 : memref<640x16xf32, #tpu.memory_space<hbm>>)
      tpu.yield
    }) : () -> ()
    return
  }
}

#map = affine_map<(d0, d1) -> (0, 0, 0)>
#map1 = affine_map<(d0, d1) -> (0, 0)>
module attributes {stable_mosaic.version = 14 : i64} {
  func.func @scat_kernel(%arg0: i32, %arg1: i32, %arg2: memref<32x162x64xi32, #tpu.memory_space<hbm>>, %arg3: memref<32x162x64xi32, #tpu.memory_space<hbm>>, %arg4: memref<10000x128xf32, #tpu.memory_space<hbm>>, %arg5: memref<2x10240x128xf32, #tpu.memory_space<hbm>>, %arg6: memref<162x64xi32, #tpu.memory_space<vmem>>, %arg7: memref<162x64xi32, #tpu.memory_space<vmem>>, %arg8: memref<64x128xf32, #tpu.memory_space<vmem>>, %arg9: memref<64x128xf32, #tpu.memory_space<vmem>>, %arg10: memref<64x128xf32, #tpu.memory_space<vmem>>, %arg11: memref<10240x128xf32, #tpu.memory_space<vmem_shared>>, %arg12: memref<!tpu.dma_semaphore, #tpu.memory_space<semaphore_mem>>, %arg13: memref<!tpu.dma_semaphore, #tpu.memory_space<semaphore_mem>>, %arg14: memref<!tpu.dma_semaphore, #tpu.memory_space<semaphore_mem>>, %arg15: memref<!tpu.dma_semaphore, #tpu.memory_space<semaphore_mem>>, %arg16: memref<!tpu.dma_semaphore, #tpu.memory_space<semaphore_mem>>, %arg17: memref<!tpu.dma_semaphore, #tpu.memory_space<semaphore_mem>>, %arg18: memref<!tpu.dma_semaphore, #tpu.memory_space<semaphore_mem>>) attributes {dimension_semantics = [#tpu.dimension_semantics<core_parallel>, #tpu.dimension_semantics<subcore_parallel>], iteration_bounds = array<i64: 2, 16>, scalar_prefetch = 0 : i64, scratch_operands = 13 : i64, tpu.core_type = #tpu.core_type<sc_vector_subcore>, window_params = [{transform_indices = #map}, {transform_indices = #map}, {transform_indices = #map1}, {transform_indices = #map}]} {
    %mul3A = arith.constant 16 : i32
    %mul3A_0 = arith.muli %arg0, %mul3A : i32
    %add3A = arith.addi %mul3A_0, %arg1 : i32
    %dma_start3A = arith.constant 0 : i32
    %dma_start3A_1 = arith.constant 0 : i32
    %dma_start3A_2 = tpu.memref_slice %arg2[%add3A, %dma_start3A, %dma_start3A_1] : memref<32x162x64xi32, #tpu.memory_space<hbm>> -> memref<1x162x64xi32, #tpu.memory_space<hbm>>
    %dma_start3A_3 = tpu.memref_squeeze %dma_start3A_2 : memref<1x162x64xi32, #tpu.memory_space<hbm>> -> memref<162x64xi32, #tpu.memory_space<hbm>>
    %dma_start3A_4 = arith.constant 0 : i32
    %dma_start3A_5 = arith.constant 0 : i32
    %dma_start3A_6 = tpu.memref_slice %arg2[%add3A, %dma_start3A_4, %dma_start3A_5] : memref<32x162x64xi32, #tpu.memory_space<hbm>> -> memref<1x162x64xi32, #tpu.memory_space<hbm>>
    %dma_start3A_7 = tpu.memref_squeeze %dma_start3A_6 : memref<1x162x64xi32, #tpu.memory_space<hbm>> -> memref<162x64xi32, #tpu.memory_space<hbm>>
    tpu.enqueue_dma source(%dma_start3A_7 : memref<162x64xi32, #tpu.memory_space<hbm>>) target(%arg6 : memref<162x64xi32, #tpu.memory_space<vmem>>) target_semaphore(%arg18 : memref<!tpu.dma_semaphore, #tpu.memory_space<semaphore_mem>>)
    %dma_wait3A = arith.constant 0 : i32
    %dma_wait3A_8 = arith.constant 0 : i32
    %dma_wait3A_9 = tpu.memref_slice %arg2[%add3A, %dma_wait3A, %dma_wait3A_8] : memref<32x162x64xi32, #tpu.memory_space<hbm>> -> memref<1x162x64xi32, #tpu.memory_space<hbm>>
    %dma_wait3A_10 = tpu.memref_squeeze %dma_wait3A_9 : memref<1x162x64xi32, #tpu.memory_space<hbm>> -> memref<162x64xi32, #tpu.memory_space<hbm>>
    %dma_wait3A_11 = arith.constant 0 : i32
    %dma_wait3A_12 = arith.constant 0 : i32
    %dma_wait3A_13 = tpu.memref_slice %arg2[%add3A, %dma_wait3A_11, %dma_wait3A_12] : memref<32x162x64xi32, #tpu.memory_space<hbm>> -> memref<1x162x64xi32, #tpu.memory_space<hbm>>
    %dma_wait3A_14 = tpu.memref_squeeze %dma_wait3A_13 : memref<1x162x64xi32, #tpu.memory_space<hbm>> -> memref<162x64xi32, #tpu.memory_space<hbm>>
    tpu.wait_dma2 semaphore(%arg18 : memref<!tpu.dma_semaphore, #tpu.memory_space<semaphore_mem>>) src(%dma_wait3A_14 : memref<162x64xi32, #tpu.memory_space<hbm>>) dst(%arg6 : memref<162x64xi32, #tpu.memory_space<vmem>>)
    %dma_start3A_15 = arith.constant 0 : i32
    %dma_start3A_16 = arith.constant 0 : i32
    %dma_start3A_17 = tpu.memref_slice %arg3[%add3A, %dma_start3A_15, %dma_start3A_16] : memref<32x162x64xi32, #tpu.memory_space<hbm>> -> memref<1x162x64xi32, #tpu.memory_space<hbm>>
    %dma_start3A_18 = tpu.memref_squeeze %dma_start3A_17 : memref<1x162x64xi32, #tpu.memory_space<hbm>> -> memref<162x64xi32, #tpu.memory_space<hbm>>
    %dma_start3A_19 = arith.constant 0 : i32
    %dma_start3A_20 = arith.constant 0 : i32
    %dma_start3A_21 = tpu.memref_slice %arg3[%add3A, %dma_start3A_19, %dma_start3A_20] : memref<32x162x64xi32, #tpu.memory_space<hbm>> -> memref<1x162x64xi32, #tpu.memory_space<hbm>>
    %dma_start3A_22 = tpu.memref_squeeze %dma_start3A_21 : memref<1x162x64xi32, #tpu.memory_space<hbm>> -> memref<162x64xi32, #tpu.memory_space<hbm>>
    tpu.enqueue_dma source(%dma_start3A_22 : memref<162x64xi32, #tpu.memory_space<hbm>>) target(%arg7 : memref<162x64xi32, #tpu.memory_space<vmem>>) target_semaphore(%arg18 : memref<!tpu.dma_semaphore, #tpu.memory_space<semaphore_mem>>)
    %dma_wait3A_23 = arith.constant 0 : i32
    %dma_wait3A_24 = arith.constant 0 : i32
    %dma_wait3A_25 = tpu.memref_slice %arg3[%add3A, %dma_wait3A_23, %dma_wait3A_24] : memref<32x162x64xi32, #tpu.memory_space<hbm>> -> memref<1x162x64xi32, #tpu.memory_space<hbm>>
    %dma_wait3A_26 = tpu.memref_squeeze %dma_wait3A_25 : memref<1x162x64xi32, #tpu.memory_space<hbm>> -> memref<162x64xi32, #tpu.memory_space<hbm>>
    %dma_wait3A_27 = arith.constant 0 : i32
    %dma_wait3A_28 = arith.constant 0 : i32
    %dma_wait3A_29 = tpu.memref_slice %arg3[%add3A, %dma_wait3A_27, %dma_wait3A_28] : memref<32x162x64xi32, #tpu.memory_space<hbm>> -> memref<1x162x64xi32, #tpu.memory_space<hbm>>
    %dma_wait3A_30 = tpu.memref_squeeze %dma_wait3A_29 : memref<1x162x64xi32, #tpu.memory_space<hbm>> -> memref<162x64xi32, #tpu.memory_space<hbm>>
    tpu.wait_dma2 semaphore(%arg18 : memref<!tpu.dma_semaphore, #tpu.memory_space<semaphore_mem>>) src(%dma_wait3A_30 : memref<162x64xi32, #tpu.memory_space<hbm>>) dst(%arg7 : memref<162x64xi32, #tpu.memory_space<vmem>>)
    %scan3A = arith.constant 0 : i32
    %scan3A_31 = arith.constant 64 : i32
    %scan3A_32 = arith.addi %scan3A, %scan3A_31 : i32
    %scan3A_33 = arith.constant 1 : i32
    scf.for %scan3A_71 = %scan3A to %scan3A_32 step %scan3A_33  : i32 {
      %mul3A_72 = arith.constant 1 : i32
      %mul3A_73 = arith.muli %scan3A_71, %mul3A_72 : i32
      %add3A_74 = arith.constant 0 : i32
      %add3A_75 = arith.addi %add3A_74, %mul3A_73 : i32
      %scan3A_76 = arith.constant 0 : i32
      %scan3A_77 = arith.constant 8 : i32
      %scan3A_78 = arith.addi %scan3A_76, %scan3A_77 : i32
      %scan3A_79 = arith.constant 1 : i32
      scf.for %scan3A_81 = %scan3A_76 to %scan3A_78 step %scan3A_79  : i32 {
        %mul3A_82 = arith.constant 1 : i32
        %mul3A_83 = arith.muli %scan3A_81, %mul3A_82 : i32
        %add3A_84 = arith.constant 0 : i32
        %add3A_85 = arith.addi %add3A_84, %mul3A_83 : i32
        %broadcast_in_dim3A = arith.constant 0.000000e+00 : f32
        %broadcast_in_dim3A_86 = vector.broadcast %broadcast_in_dim3A : f32 to vector<16xf32>
        %mul3A_87 = arith.constant 16 : i32
        %mul3A_88 = arith.muli %add3A_85, %mul3A_87 : i32
        %swap3A = arith.index_cast %add3A_75 : i32 to index
        %swap3A_89 = arith.index_cast %mul3A_88 : i32 to index
        %swap3A_90 = tpu.vector_load %arg10[%swap3A, %swap3A_89] {strides = array<i32>} : memref<64x128xf32, #tpu.memory_space<vmem>>, vector<1x16xf32>,
        %swap3A_91 = vector.shape_cast %swap3A_90 : vector<1x16xf32> to vector<16xf32>
        %swap3A_92 = vector.shape_cast %broadcast_in_dim3A_86 : vector<16xf32> to vector<1x16xf32>
        tpu.vector_store %arg10[%swap3A, %swap3A_89], %swap3A_92 {strides = array<i32>} : memref<64x128xf32, #tpu.memory_space<vmem>>, vector<1x16xf32>,
      }
      %scan3A_80 = arith.constant 8 : i32
    }
    %scan3A_34 = arith.constant 64 : i32
    %scan3A_35 = arith.constant 0 : i32
    %scan3A_36 = arith.constant 10 : i32
    %scan3A_37 = arith.addi %scan3A_35, %scan3A_36 : i32
    %scan3A_38 = arith.constant 1 : i32
    scf.for %scan3A_71 = %scan3A_35 to %scan3A_37 step %scan3A_38  : i32 {
      %mul3A_72 = arith.constant 1 : i32
      %mul3A_73 = arith.muli %scan3A_71, %mul3A_72 : i32
      %add3A_74 = arith.constant 0 : i32
      %add3A_75 = arith.addi %add3A_74, %mul3A_73 : i32
      %mul3A_76 = arith.constant 640 : i32
      %mul3A_77 = arith.muli %arg1, %mul3A_76 : i32
      %mul3A_78 = arith.constant 64 : i32
      %mul3A_79 = arith.muli %add3A_75, %mul3A_78 : i32
      %add3A_80 = arith.addi %mul3A_77, %mul3A_79 : i32
      "tpu.region"() ({
        %run_scoped3A = tpu.sem_alloc : memref<!tpu.dma_semaphore, #tpu.memory_space<semaphore_mem>>
        %dma_start3A_81 = arith.constant 0 : i32
        %dma_start3A_82 = tpu.memref_slice %arg11[%add3A_80, %dma_start3A_81] : memref<10240x128xf32, #tpu.memory_space<vmem_shared>> -> memref<64x128xf32, #tpu.memory_space<vmem_shared>>
        %dma_start3A_83 = arith.constant 0 : i32
        %dma_start3A_84 = tpu.memref_slice %arg11[%add3A_80, %dma_start3A_83] : memref<10240x128xf32, #tpu.memory_space<vmem_shared>> -> memref<64x128xf32, #tpu.memory_space<vmem_shared>>
        tpu.enqueue_dma source(%arg10 : memref<64x128xf32, #tpu.memory_space<vmem>>) target(%dma_start3A_84 : memref<64x128xf32, #tpu.memory_space<vmem_shared>>) target_semaphore(%run_scoped3A : memref<!tpu.dma_semaphore, #tpu.memory_space<semaphore_mem>>)
        %dma_wait3A_85 = arith.constant 0 : i32
        %dma_wait3A_86 = tpu.memref_slice %arg11[%add3A_80, %dma_wait3A_85] : memref<10240x128xf32, #tpu.memory_space<vmem_shared>> -> memref<64x128xf32, #tpu.memory_space<vmem_shared>>
        %dma_wait3A_87 = arith.constant 0 : i32
        %dma_wait3A_88 = tpu.memref_slice %arg11[%add3A_80, %dma_wait3A_87] : memref<10240x128xf32, #tpu.memory_space<vmem_shared>> -> memref<64x128xf32, #tpu.memory_space<vmem_shared>>
        tpu.wait_dma2 semaphore(%run_scoped3A : memref<!tpu.dma_semaphore, #tpu.memory_space<semaphore_mem>>) src(%arg10 : memref<64x128xf32, #tpu.memory_space<vmem>>) dst(%dma_wait3A_88 : memref<64x128xf32, #tpu.memory_space<vmem_shared>>)
        tpu.yield
      }) : () -> ()
    }
    %scan3A_39 = arith.constant 10 : i32
    %barrier3A = arith.constant 0 : index
    tpu.barrier barrier_id(%barrier3A)
    %dma_start3A_40 = arith.constant 0 : i32
    %dma_start3A_41 = arith.constant 0 : i32
    %dma_start3A_42 = tpu.memref_slice %arg6[%dma_start3A_40, %dma_start3A_41] : memref<162x64xi32, #tpu.memory_space<vmem>> -> memref<1x64xi32, #tpu.memory_space<vmem>>
    %dma_start3A_43 = tpu.memref_squeeze %dma_start3A_42 : memref<1x64xi32, #tpu.memory_space<vmem>> -> memref<64xi32, #tpu.memory_space<vmem>>
    %dma_start3A_44 = arith.constant 0 : i32
    %dma_start3A_45 = arith.constant 0 : i32
    %dma_start3A_46 = tpu.memref_slice %arg4[%dma_start3A_44, %dma_start3A_45] : memref<10000x128xf32, #tpu.memory_space<hbm>> -> memref<10000x128xf32, #tpu.memory_space<hbm>>
    tpu.enqueue_indirect_dma source(%dma_start3A_46 : memref<10000x128xf32, #tpu.memory_space<hbm>>) target(%arg8 : memref<64x128xf32, #tpu.memory_space<vmem>>) offsets(%dma_start3A_43 : memref<64xi32, #tpu.memory_space<vmem>>) semaphore(%arg12 : memref<!tpu.dma_semaphore, #tpu.memory_space<semaphore_mem>>)
    %dma_start3A_47 = arith.constant 1 : i32
    %dma_start3A_48 = arith.constant 0 : i32
    %dma_start3A_49 = tpu.memref_slice %arg6[%dma_start3A_47, %dma_start3A_48] : memref<162x64xi32, #tpu.memory_space<vmem>> -> memref<1x64xi32, #tpu.memory_space<vmem>>
    %dma_start3A_50 = tpu.memref_squeeze %dma_start3A_49 : memref<1x64xi32, #tpu.memory_space<vmem>> -> memref<64xi32, #tpu.memory_space<vmem>>
    %dma_start3A_51 = arith.constant 0 : i32
    %dma_start3A_52 = arith.constant 0 : i32
    %dma_start3A_53 = tpu.memref_slice %arg4[%dma_start3A_51, %dma_start3A_52] : memref<10000x128xf32, #tpu.memory_space<hbm>> -> memref<10000x128xf32, #tpu.memory_space<hbm>>
    tpu.enqueue_indirect_dma source(%dma_start3A_53 : memref<10000x128xf32, #tpu.memory_space<hbm>>) target(%arg9 : memref<64x128xf32, #tpu.memory_space<vmem>>) offsets(%dma_start3A_50 : memref<64xi32, #tpu.memory_space<vmem>>) semaphore(%arg13 : memref<!tpu.dma_semaphore, #tpu.memory_space<semaphore_mem>>)
    %scan3A_54 = arith.constant 0 : i32
    %scan3A_55 = arith.constant 54 : i32
    %scan3A_56 = arith.addi %scan3A_54, %scan3A_55 : i32
    %scan3A_57 = arith.constant 1 : i32
    scf.for %scan3A_71 = %scan3A_54 to %scan3A_56 step %scan3A_57  : i32 {
      %mul3A_72 = arith.constant 3 : i32
      %mul3A_73 = arith.muli %scan3A_71, %mul3A_72 : i32
      %add3A_74 = arith.constant 0 : i32
      %add3A_75 = arith.addi %add3A_74, %mul3A_73 : i32
      %add3A_76 = arith.constant 0 : i32
      %add3A_77 = arith.addi %add3A_75, %add3A_76 : i32
      %dma_wait3A_78 = arith.constant 0 : i32
      %dma_wait3A_79 = tpu.memref_slice %arg6[%add3A_77, %dma_wait3A_78] : memref<162x64xi32, #tpu.memory_space<vmem>> -> memref<1x64xi32, #tpu.memory_space<vmem>>
      %dma_wait3A_80 = tpu.memref_squeeze %dma_wait3A_79 : memref<1x64xi32, #tpu.memory_space<vmem>> -> memref<64xi32, #tpu.memory_space<vmem>>
      %dma_wait3A_81 = arith.constant 0 : i32
      %dma_wait3A_82 = arith.constant 0 : i32
      %dma_wait3A_83 = tpu.memref_slice %arg4[%dma_wait3A_81, %dma_wait3A_82] : memref<10000x128xf32, #tpu.memory_space<hbm>> -> memref<10000x128xf32, #tpu.memory_space<hbm>>
      tpu.wait_indirect_dma semaphore(%arg12 : memref<!tpu.dma_semaphore, #tpu.memory_space<semaphore_mem>>) src(%dma_wait3A_83 : memref<10000x128xf32, #tpu.memory_space<hbm>>) dst(%arg8 : memref<64x128xf32, #tpu.memory_space<vmem>>)
      %dma_start3A_84 = arith.constant 0 : i32
      %dma_start3A_85 = tpu.memref_slice %arg7[%add3A_77, %dma_start3A_84] : memref<162x64xi32, #tpu.memory_space<vmem>> -> memref<1x64xi32, #tpu.memory_space<vmem>>
      %dma_start3A_86 = tpu.memref_squeeze %dma_start3A_85 : memref<1x64xi32, #tpu.memory_space<vmem>> -> memref<64xi32, #tpu.memory_space<vmem>>
      %dma_start3A_87 = arith.constant 0 : i32
      %dma_start3A_88 = arith.constant 0 : i32
      %dma_start3A_89 = tpu.memref_slice %arg11[%dma_start3A_87, %dma_start3A_88] : memref<10240x128xf32, #tpu.memory_space<vmem_shared>> -> memref<10240x128xf32, #tpu.memory_space<vmem_shared>>
      tpu.enqueue_indirect_dma source(%arg8 : memref<64x128xf32, #tpu.memory_space<vmem>>) target(%dma_start3A_89 : memref<10240x128xf32, #tpu.memory_space<vmem_shared>>) offsets(%dma_start3A_86 : memref<64xi32, #tpu.memory_space<vmem>>) semaphore(%arg15 : memref<!tpu.dma_semaphore, #tpu.memory_space<semaphore_mem>>) {add = true}
      %ge3A = arith.constant 1 : i32
      %ge3A_90 = arith.cmpi sge, %add3A_77, %ge3A : i32
      %convert_element_type3A = arith.extui %ge3A_90 : i1 to i32
      %cond3A = arith.constant 0 : i32
      %cond3A_91 = arith.cmpi ne, %convert_element_type3A, %cond3A : i32
      scf.if %cond3A_91 {
        %sub3A_156 = arith.constant 1 : i32
        %sub3A_157 = arith.subi %add3A_77, %sub3A_156 : i32
        %dma_wait3A_158 = arith.constant 0 : i32
        %dma_wait3A_159 = tpu.memref_slice %arg7[%sub3A_157, %dma_wait3A_158] : memref<162x64xi32, #tpu.memory_space<vmem>> -> memref<1x64xi32, #tpu.memory_space<vmem>>
        %dma_wait3A_160 = tpu.memref_squeeze %dma_wait3A_159 : memref<1x64xi32, #tpu.memory_space<vmem>> -> memref<64xi32, #tpu.memory_space<vmem>>
        %dma_wait3A_161 = arith.constant 0 : i32
        %dma_wait3A_162 = arith.constant 0 : i32
        %dma_wait3A_163 = tpu.memref_slice %arg11[%dma_wait3A_161, %dma_wait3A_162] : memref<10240x128xf32, #tpu.memory_space<vmem_shared>> -> memref<10240x128xf32, #tpu.memory_space<vmem_shared>>
        tpu.wait_indirect_dma semaphore(%arg17 : memref<!tpu.dma_semaphore, #tpu.memory_space<semaphore_mem>>) src(%arg10 : memref<64x128xf32, #tpu.memory_space<vmem>>) dst(%dma_wait3A_163 : memref<10240x128xf32, #tpu.memory_space<vmem_shared>>)
      } else {
      }
      %add3A_92 = arith.constant 2 : i32
      %add3A_93 = arith.addi %add3A_77, %add3A_92 : i32
      %dma_start3A_94 = arith.constant 0 : i32
      %dma_start3A_95 = tpu.memref_slice %arg6[%add3A_93, %dma_start3A_94] : memref<162x64xi32, #tpu.memory_space<vmem>> -> memref<1x64xi32, #tpu.memory_space<vmem>>
      %dma_start3A_96 = tpu.memref_squeeze %dma_start3A_95 : memref<1x64xi32, #tpu.memory_space<vmem>> -> memref<64xi32, #tpu.memory_space<vmem>>
      %dma_start3A_97 = arith.constant 0 : i32
      %dma_start3A_98 = arith.constant 0 : i32
      %dma_start3A_99 = tpu.memref_slice %arg4[%dma_start3A_97, %dma_start3A_98] : memref<10000x128xf32, #tpu.memory_space<hbm>> -> memref<10000x128xf32, #tpu.memory_space<hbm>>
      tpu.enqueue_indirect_dma source(%dma_start3A_99 : memref<10000x128xf32, #tpu.memory_space<hbm>>) target(%arg10 : memref<64x128xf32, #tpu.memory_space<vmem>>) offsets(%dma_start3A_96 : memref<64xi32, #tpu.memory_space<vmem>>) semaphore(%arg14 : memref<!tpu.dma_semaphore, #tpu.memory_space<semaphore_mem>>)
      %add3A_100 = arith.constant 1 : i32
      %add3A_101 = arith.addi %add3A_75, %add3A_100 : i32
      %dma_wait3A_102 = arith.constant 0 : i32
      %dma_wait3A_103 = tpu.memref_slice %arg6[%add3A_101, %dma_wait3A_102] : memref<162x64xi32, #tpu.memory_space<vmem>> -> memref<1x64xi32, #tpu.memory_space<vmem>>
      %dma_wait3A_104 = tpu.memref_squeeze %dma_wait3A_103 : memref<1x64xi32, #tpu.memory_space<vmem>> -> memref<64xi32, #tpu.memory_space<vmem>>
      %dma_wait3A_105 = arith.constant 0 : i32
      %dma_wait3A_106 = arith.constant 0 : i32
      %dma_wait3A_107 = tpu.memref_slice %arg4[%dma_wait3A_105, %dma_wait3A_106] : memref<10000x128xf32, #tpu.memory_space<hbm>> -> memref<10000x128xf32, #tpu.memory_space<hbm>>
      tpu.wait_indirect_dma semaphore(%arg13 : memref<!tpu.dma_semaphore, #tpu.memory_space<semaphore_mem>>) src(%dma_wait3A_107 : memref<10000x128xf32, #tpu.memory_space<hbm>>) dst(%arg9 : memref<64x128xf32, #tpu.memory_space<vmem>>)
      %dma_start3A_108 = arith.constant 0 : i32
      %dma_start3A_109 = tpu.memref_slice %arg7[%add3A_101, %dma_start3A_108] : memref<162x64xi32, #tpu.memory_space<vmem>> -> memref<1x64xi32, #tpu.memory_space<vmem>>
      %dma_start3A_110 = tpu.memref_squeeze %dma_start3A_109 : memref<1x64xi32, #tpu.memory_space<vmem>> -> memref<64xi32, #tpu.memory_space<vmem>>
      %dma_start3A_111 = arith.constant 0 : i32
      %dma_start3A_112 = arith.constant 0 : i32
      %dma_start3A_113 = tpu.memref_slice %arg11[%dma_start3A_111, %dma_start3A_112] : memref<10240x128xf32, #tpu.memory_space<vmem_shared>> -> memref<10240x128xf32, #tpu.memory_space<vmem_shared>>
      tpu.enqueue_indirect_dma source(%arg9 : memref<64x128xf32, #tpu.memory_space<vmem>>) target(%dma_start3A_113 : memref<10240x128xf32, #tpu.memory_space<vmem_shared>>) offsets(%dma_start3A_110 : memref<64xi32, #tpu.memory_space<vmem>>) semaphore(%arg16 : memref<!tpu.dma_semaphore, #tpu.memory_space<semaphore_mem>>) {add = true}
      %sub3A = arith.constant 1 : i32
      %sub3A_114 = arith.subi %add3A_101, %sub3A : i32
      %dma_wait3A_115 = arith.constant 0 : i32
      %dma_wait3A_116 = tpu.memref_slice %arg7[%sub3A_114, %dma_wait3A_115] : memref<162x64xi32, #tpu.memory_space<vmem>> -> memref<1x64xi32, #tpu.memory_space<vmem>>
      %dma_wait3A_117 = tpu.memref_squeeze %dma_wait3A_116 : memref<1x64xi32, #tpu.memory_space<vmem>> -> memref<64xi32, #tpu.memory_space<vmem>>
      %dma_wait3A_118 = arith.constant 0 : i32
      %dma_wait3A_119 = arith.constant 0 : i32
      %dma_wait3A_120 = tpu.memref_slice %arg11[%dma_wait3A_118, %dma_wait3A_119] : memref<10240x128xf32, #tpu.memory_space<vmem_shared>> -> memref<10240x128xf32, #tpu.memory_space<vmem_shared>>
      tpu.wait_indirect_dma semaphore(%arg15 : memref<!tpu.dma_semaphore, #tpu.memory_space<semaphore_mem>>) src(%arg8 : memref<64x128xf32, #tpu.memory_space<vmem>>) dst(%dma_wait3A_120 : memref<10240x128xf32, #tpu.memory_space<vmem_shared>>)
      %add3A_121 = arith.constant 2 : i32
      %add3A_122 = arith.addi %add3A_101, %add3A_121 : i32
      %lt3A = arith.constant 162 : i32
      %lt3A_123 = arith.cmpi slt, %add3A_122, %lt3A : i32
      %convert_element_type3A_124 = arith.extui %lt3A_123 : i1 to i32
      %cond3A_125 = arith.constant 0 : i32
      %cond3A_126 = arith.cmpi ne, %convert_element_type3A_124, %cond3A_125 : i32
      scf.if %cond3A_126 {
        %add3A_156 = arith.constant 2 : i32
        %add3A_157 = arith.addi %add3A_101, %add3A_156 : i32
        %dma_start3A_158 = arith.constant 0 : i32
        %dma_start3A_159 = tpu.memref_slice %arg6[%add3A_157, %dma_start3A_158] : memref<162x64xi32, #tpu.memory_space<vmem>> -> memref<1x64xi32, #tpu.memory_space<vmem>>
        %dma_start3A_160 = tpu.memref_squeeze %dma_start3A_159 : memref<1x64xi32, #tpu.memory_space<vmem>> -> memref<64xi32, #tpu.memory_space<vmem>>
        %dma_start3A_161 = arith.constant 0 : i32
        %dma_start3A_162 = arith.constant 0 : i32
        %dma_start3A_163 = tpu.memref_slice %arg4[%dma_start3A_161, %dma_start3A_162] : memref<10000x128xf32, #tpu.memory_space<hbm>> -> memref<10000x128xf32, #tpu.memory_space<hbm>>
        tpu.enqueue_indirect_dma source(%dma_start3A_163 : memref<10000x128xf32, #tpu.memory_space<hbm>>) target(%arg8 : memref<64x128xf32, #tpu.memory_space<vmem>>) offsets(%dma_start3A_160 : memref<64xi32, #tpu.memory_space<vmem>>) semaphore(%arg12 : memref<!tpu.dma_semaphore, #tpu.memory_space<semaphore_mem>>)
      } else {
      }
      %add3A_127 = arith.constant 2 : i32
      %add3A_128 = arith.addi %add3A_75, %add3A_127 : i32
      %dma_wait3A_129 = arith.constant 0 : i32
      %dma_wait3A_130 = tpu.memref_slice %arg6[%add3A_128, %dma_wait3A_129] : memref<162x64xi32, #tpu.memory_space<vmem>> -> memref<1x64xi32, #tpu.memory_space<vmem>>
      %dma_wait3A_131 = tpu.memref_squeeze %dma_wait3A_130 : memref<1x64xi32, #tpu.memory_space<vmem>> -> memref<64xi32, #tpu.memory_space<vmem>>
      %dma_wait3A_132 = arith.constant 0 : i32
      %dma_wait3A_133 = arith.constant 0 : i32
      %dma_wait3A_134 = tpu.memref_slice %arg4[%dma_wait3A_132, %dma_wait3A_133] : memref<10000x128xf32, #tpu.memory_space<hbm>> -> memref<10000x128xf32, #tpu.memory_space<hbm>>
      tpu.wait_indirect_dma semaphore(%arg14 : memref<!tpu.dma_semaphore, #tpu.memory_space<semaphore_mem>>) src(%dma_wait3A_134 : memref<10000x128xf32, #tpu.memory_space<hbm>>) dst(%arg10 : memref<64x128xf32, #tpu.memory_space<vmem>>)
      %dma_start3A_135 = arith.constant 0 : i32
      %dma_start3A_136 = tpu.memref_slice %arg7[%add3A_128, %dma_start3A_135] : memref<162x64xi32, #tpu.memory_space<vmem>> -> memref<1x64xi32, #tpu.memory_space<vmem>>
      %dma_start3A_137 = tpu.memref_squeeze %dma_start3A_136 : memref<1x64xi32, #tpu.memory_space<vmem>> -> memref<64xi32, #tpu.memory_space<vmem>>
      %dma_start3A_138 = arith.constant 0 : i32
      %dma_start3A_139 = arith.constant 0 : i32
      %dma_start3A_140 = tpu.memref_slice %arg11[%dma_start3A_138, %dma_start3A_139] : memref<10240x128xf32, #tpu.memory_space<vmem_shared>> -> memref<10240x128xf32, #tpu.memory_space<vmem_shared>>
      tpu.enqueue_indirect_dma source(%arg10 : memref<64x128xf32, #tpu.memory_space<vmem>>) target(%dma_start3A_140 : memref<10240x128xf32, #tpu.memory_space<vmem_shared>>) offsets(%dma_start3A_137 : memref<64xi32, #tpu.memory_space<vmem>>) semaphore(%arg17 : memref<!tpu.dma_semaphore, #tpu.memory_space<semaphore_mem>>) {add = true}
      %sub3A_141 = arith.constant 1 : i32
      %sub3A_142 = arith.subi %add3A_128, %sub3A_141 : i32
      %dma_wait3A_143 = arith.constant 0 : i32
      %dma_wait3A_144 = tpu.memref_slice %arg7[%sub3A_142, %dma_wait3A_143] : memref<162x64xi32, #tpu.memory_space<vmem>> -> memref<1x64xi32, #tpu.memory_space<vmem>>
      %dma_wait3A_145 = tpu.memref_squeeze %dma_wait3A_144 : memref<1x64xi32, #tpu.memory_space<vmem>> -> memref<64xi32, #tpu.memory_space<vmem>>
      %dma_wait3A_146 = arith.constant 0 : i32
      %dma_wait3A_147 = arith.constant 0 : i32
      %dma_wait3A_148 = tpu.memref_slice %arg11[%dma_wait3A_146, %dma_wait3A_147] : memref<10240x128xf32, #tpu.memory_space<vmem_shared>> -> memref<10240x128xf32, #tpu.memory_space<vmem_shared>>
      tpu.wait_indirect_dma semaphore(%arg16 : memref<!tpu.dma_semaphore, #tpu.memory_space<semaphore_mem>>) src(%arg9 : memref<64x128xf32, #tpu.memory_space<vmem>>) dst(%dma_wait3A_148 : memref<10240x128xf32, #tpu.memory_space<vmem_shared>>)
      %add3A_149 = arith.constant 2 : i32
      %add3A_150 = arith.addi %add3A_128, %add3A_149 : i32
      %lt3A_151 = arith.constant 162 : i32
      %lt3A_152 = arith.cmpi slt, %add3A_150, %lt3A_151 : i32
      %convert_element_type3A_153 = arith.extui %lt3A_152 : i1 to i32
      %cond3A_154 = arith.constant 0 : i32
      %cond3A_155 = arith.cmpi ne, %convert_element_type3A_153, %cond3A_154 : i32
      scf.if %cond3A_155 {
        %add3A_156 = arith.constant 2 : i32
        %add3A_157 = arith.addi %add3A_128, %add3A_156 : i32
        %dma_start3A_158 = arith.constant 0 : i32
        %dma_start3A_159 = tpu.memref_slice %arg6[%add3A_157, %dma_start3A_158] : memref<162x64xi32, #tpu.memory_space<vmem>> -> memref<1x64xi32, #tpu.memory_space<vmem>>
        %dma_start3A_160 = tpu.memref_squeeze %dma_start3A_159 : memref<1x64xi32, #tpu.memory_space<vmem>> -> memref<64xi32, #tpu.memory_space<vmem>>
        %dma_start3A_161 = arith.constant 0 : i32
        %dma_start3A_162 = arith.constant 0 : i32
        %dma_start3A_163 = tpu.memref_slice %arg4[%dma_start3A_161, %dma_start3A_162] : memref<10000x128xf32, #tpu.memory_space<hbm>> -> memref<10000x128xf32, #tpu.memory_space<hbm>>
        tpu.enqueue_indirect_dma source(%dma_start3A_163 : memref<10000x128xf32, #tpu.memory_space<hbm>>) target(%arg9 : memref<64x128xf32, #tpu.memory_space<vmem>>) offsets(%dma_start3A_160 : memref<64xi32, #tpu.memory_space<vmem>>) semaphore(%arg13 : memref<!tpu.dma_semaphore, #tpu.memory_space<semaphore_mem>>)
      } else {
      }
    }
    %scan3A_58 = arith.constant 54 : i32
    %dma_wait3A_59 = arith.constant 161 : i32
    %dma_wait3A_60 = arith.constant 0 : i32
    %dma_wait3A_61 = tpu.memref_slice %arg7[%dma_wait3A_59, %dma_wait3A_60] : memref<162x64xi32, #tpu.memory_space<vmem>> -> memref<1x64xi32, #tpu.memory_space<vmem>>
    %dma_wait3A_62 = tpu.memref_squeeze %dma_wait3A_61 : memref<1x64xi32, #tpu.memory_space<vmem>> -> memref<64xi32, #tpu.memory_space<vmem>>
    %dma_wait3A_63 = arith.constant 0 : i32
    %dma_wait3A_64 = arith.constant 0 : i32
    %dma_wait3A_65 = tpu.memref_slice %arg11[%dma_wait3A_63, %dma_wait3A_64] : memref<10240x128xf32, #tpu.memory_space<vmem_shared>> -> memref<10240x128xf32, #tpu.memory_space<vmem_shared>>
    tpu.wait_indirect_dma semaphore(%arg17 : memref<!tpu.dma_semaphore, #tpu.memory_space<semaphore_mem>>) src(%arg10 : memref<64x128xf32, #tpu.memory_space<vmem>>) dst(%dma_wait3A_65 : memref<10240x128xf32, #tpu.memory_space<vmem_shared>>)
    %barrier3A_66 = arith.constant 0 : index
    tpu.barrier barrier_id(%barrier3A_66)
    %mul3A_67 = arith.constant 640 : i32
    %mul3A_68 = arith.muli %arg1, %mul3A_67 : i32
    %mul3A_69 = arith.constant 640 : i32
    %mul3A_70 = arith.muli %arg1, %mul3A_69 : i32
    "tpu.region"() ({
      %run_scoped3A = tpu.sem_alloc : memref<!tpu.dma_semaphore, #tpu.memory_space<semaphore_mem>>
      %dma_start3A_71 = arith.constant 0 : i32
      %dma_start3A_72 = arith.constant 0 : i32
      %dma_start3A_73 = tpu.memref_slice %arg5[%arg0, %dma_start3A_71, %dma_start3A_72] : memref<2x10240x128xf32, #tpu.memory_space<hbm>> -> memref<1x10240x128xf32, #tpu.memory_space<hbm>>
      %dma_start3A_74 = tpu.memref_squeeze %dma_start3A_73 : memref<1x10240x128xf32, #tpu.memory_space<hbm>> -> memref<10240x128xf32, #tpu.memory_space<hbm>>
      %dma_start3A_75 = arith.constant 0 : i32
      %dma_start3A_76 = tpu.memref_slice %dma_start3A_74[%mul3A_70, %dma_start3A_75] : memref<10240x128xf32, #tpu.memory_space<hbm>> -> memref<640x128xf32, #tpu.memory_space<hbm>>
      %dma_start3A_77 = arith.constant 0 : i32
      %dma_start3A_78 = tpu.memref_slice %arg11[%mul3A_68, %dma_start3A_77] : memref<10240x128xf32, #tpu.memory_space<vmem_shared>> -> memref<640x128xf32, #tpu.memory_space<vmem_shared>>
      tpu.enqueue_dma source(%dma_start3A_78 : memref<640x128xf32, #tpu.memory_space<vmem_shared>>) target(%dma_start3A_76 : memref<640x128xf32, #tpu.memory_space<hbm>>) target_semaphore(%run_scoped3A : memref<!tpu.dma_semaphore, #tpu.memory_space<semaphore_mem>>)
      %dma_wait3A_79 = arith.constant 0 : i32
      %dma_wait3A_80 = arith.constant 0 : i32
      %dma_wait3A_81 = tpu.memref_slice %arg5[%arg0, %dma_wait3A_79, %dma_wait3A_80] : memref<2x10240x128xf32, #tpu.memory_space<hbm>> -> memref<1x10240x128xf32, #tpu.memory_space<hbm>>
      %dma_wait3A_82 = tpu.memref_squeeze %dma_wait3A_81 : memref<1x10240x128xf32, #tpu.memory_space<hbm>> -> memref<10240x128xf32, #tpu.memory_space<hbm>>
      %dma_wait3A_83 = arith.constant 0 : i32
      %dma_wait3A_84 = tpu.memref_slice %dma_wait3A_82[%mul3A_70, %dma_wait3A_83] : memref<10240x128xf32, #tpu.memory_space<hbm>> -> memref<640x128xf32, #tpu.memory_space<hbm>>
      %dma_wait3A_85 = arith.constant 0 : i32
      %dma_wait3A_86 = tpu.memref_slice %arg11[%mul3A_68, %dma_wait3A_85] : memref<10240x128xf32, #tpu.memory_space<vmem_shared>> -> memref<640x128xf32, #tpu.memory_space<vmem_shared>>
      tpu.wait_dma2 semaphore(%run_scoped3A : memref<!tpu.dma_semaphore, #tpu.memory_space<semaphore_mem>>) src(%dma_wait3A_86 : memref<640x128xf32, #tpu.memory_space<vmem_shared>>) dst(%dma_wait3A_84 : memref<640x128xf32, #tpu.memory_space<hbm>>)
      tpu.yield
    }) : () -> ()
    return
  }
}

module attributes {stable_mosaic.version = 14 : i64} {
  func.func @body(%arg0: i32, %arg1: memref<2048x128xf32, #tpu.memory_space<vmem>>, %arg2: memref<128x128xf32, #tpu.memory_space<vmem>>, %arg3: memref<2048x128xf32, #tpu.memory_space<vmem>>) attributes {dimension_semantics = [#tpu.dimension_semantics<arbitrary>], iteration_bounds = array<i64: 5>, scalar_prefetch = 0 : i64, scratch_operands = 0 : i64, tpu.core_type = #tpu.core_type<tc>, window_params = [{transform_indices = @transform_0, window_bounds = array<i64: 2048, 128>}, {pipeline_mode = #tpu.pipeline_mode<synchronous>, transform_indices = @transform_1, window_bounds = array<i64: 128, 128>}, {transform_indices = @transform_2, window_bounds = array<i64: 2048, 128>}]} {
    %get3A = arith.constant 0 : index
    %get3A_0 = arith.constant 0 : index
    %get3A_1 = vector.load %arg1[%get3A, %get3A_0] : memref<2048x128xf32, #tpu.memory_space<vmem>>, vector<2048x128xf32>
    %get3A_2 = arith.constant 0 : index
    %get3A_3 = arith.constant 0 : index
    %get3A_4 = vector.load %arg2[%get3A_2, %get3A_3] : memref<128x128xf32, #tpu.memory_space<vmem>>, vector<128x128xf32>
    %dot_general3A = arith.constant dense<0.000000e+00> : vector<2048x128xf32>
    %dot_general3A_5 = tpu.matmul %get3A_1, %get3A_4, %dot_general3A {dimension_numbers = #tpu.dot_dimension_numbers<[1], [0], [0], [1], [0, 0, 1, 1], [], []>, transpose_lhs_hint = false} : vector<2048x128xf32>, vector<128x128xf32>, vector<2048x128xf32> -> vector<2048x128xf32>
    %swap3A = arith.constant 0 : index
    %swap3A_6 = arith.constant 0 : index
    %swap3A_7 = vector.load %arg3[%swap3A, %swap3A_6] : memref<2048x128xf32, #tpu.memory_space<vmem>>, vector<2048x128xf32>
    tpu.vector_store %arg3[%swap3A, %swap3A_6], %dot_general3A_5 {strides = array<i32>} : memref<2048x128xf32, #tpu.memory_space<vmem>>, vector<2048x128xf32>,
    return
  }
  func.func @transform_0(%arg0: i32) -> (i32, i32) {
    %c0_i32 = arith.constant 0 : i32
    %c0_i32_0 = arith.constant 0 : i32
    return %arg0, %c0_i32 : i32, i32
  }
  func.func @transform_1(%arg0: i32) -> (i32, i32) {
    %c0_i32 = arith.constant 0 : i32
    %c0_i32_0 = arith.constant 0 : i32
    %c0_i32_1 = arith.constant 0 : i32
    return %c0_i32, %c0_i32_0 : i32, i32
  }
  func.func @transform_2(%arg0: i32) -> (i32, i32) {
    %c0_i32 = arith.constant 0 : i32
    %c0_i32_0 = arith.constant 0 : i32
    return %arg0, %c0_i32 : i32, i32
  }
}

module attributes {stable_mosaic.version = 14 : i64} {
  func.func @body(%arg0: i32, %arg1: memref<2x2048x16xf32, #tpu.memory_space<vmem>>, %arg2: memref<2048x128xf32, #tpu.memory_space<vmem>>, %arg3: memref<2048x1xf32, #tpu.memory_space<vmem>>, %arg4: memref<2048x128xf32, #tpu.memory_space<vmem>>) attributes {dimension_semantics = [#tpu.dimension_semantics<arbitrary>], iteration_bounds = array<i64: 5>, scalar_prefetch = 0 : i64, scratch_operands = 0 : i64, tpu.core_type = #tpu.core_type<tc>, window_params = [{transform_indices = @transform_0, window_bounds = array<i64: 2, 2048, 16>}, {transform_indices = @transform_1, window_bounds = array<i64: 2048, 128>}, {transform_indices = @transform_2, window_bounds = array<i64: 2048, 1>}, {transform_indices = @transform_3, window_bounds = array<i64: 2048, 128>}]} {
    %get3A = arith.constant 0 : index
    %get3A_0 = arith.constant 0 : index
    %get3A_1 = arith.constant 0 : index
    %get3A_2 = vector.load %arg1[%get3A, %get3A_0, %get3A_1] : memref<2x2048x16xf32, #tpu.memory_space<vmem>>, vector<1x2048x1xf32>
    %get3A_3 = vector.shape_cast %get3A_2 : vector<1x2048x1xf32> to vector<2048x1xf32>
    %get3A_4 = arith.constant 1 : index
    %get3A_5 = arith.constant 0 : index
    %get3A_6 = arith.constant 0 : index
    %get3A_7 = vector.load %arg1[%get3A_4, %get3A_5, %get3A_6] : memref<2x2048x16xf32, #tpu.memory_space<vmem>>, vector<1x2048x1xf32>
    %get3A_8 = vector.shape_cast %get3A_7 : vector<1x2048x1xf32> to vector<2048x1xf32>
    %add3A = arith.addf %get3A_3, %get3A_8 : vector<2048x1xf32>
    %add3A_9 = arith.constant 1.000000e+00 : f32
    %add3A_10 = vector.broadcast %add3A_9 : f32 to vector<2048x1xf32>
    %add3A_11 = arith.addf %add3A, %add3A_10 : vector<2048x1xf32>
    %rsqrt3A = math.rsqrt %add3A_11 : vector<2048x1xf32>
    %swap3A = arith.constant 0 : index
    %swap3A_12 = arith.constant 0 : index
    %swap3A_13 = vector.load %arg3[%swap3A, %swap3A_12] : memref<2048x1xf32, #tpu.memory_space<vmem>>, vector<2048x1xf32>
    tpu.vector_store %arg3[%swap3A, %swap3A_12], %rsqrt3A {strides = array<i32>} : memref<2048x1xf32, #tpu.memory_space<vmem>>, vector<2048x1xf32>,
    %get3A_14 = arith.constant 0 : index
    %get3A_15 = arith.constant 0 : index
    %get3A_16 = vector.load %arg2[%get3A_14, %get3A_15] : memref<2048x128xf32, #tpu.memory_space<vmem>>, vector<2048x128xf32>
    %mul3A = vector.broadcast %rsqrt3A : vector<2048x1xf32> to vector<2048x128xf32>
    %mul3A_17 = arith.mulf %get3A_16, %mul3A : vector<2048x128xf32>
    %swap3A_18 = arith.constant 0 : index
    %swap3A_19 = arith.constant 0 : index
    %swap3A_20 = vector.load %arg4[%swap3A_18, %swap3A_19] : memref<2048x128xf32, #tpu.memory_space<vmem>>, vector<2048x128xf32>
    tpu.vector_store %arg4[%swap3A_18, %swap3A_19], %mul3A_17 {strides = array<i32>} : memref<2048x128xf32, #tpu.memory_space<vmem>>, vector<2048x128xf32>,
    return
  }
  func.func @transform_0(%arg0: i32) -> (i32, i32, i32) {
    %c0_i32 = arith.constant 0 : i32
    %c0_i32_0 = arith.constant 0 : i32
    %c0_i32_1 = arith.constant 0 : i32
    return %c0_i32, %arg0, %c0_i32_0 : i32, i32, i32
  }
  func.func @transform_1(%arg0: i32) -> (i32, i32) {
    %c0_i32 = arith.constant 0 : i32
    %c0_i32_0 = arith.constant 0 : i32
    return %arg0, %c0_i32 : i32, i32
  }
  func.func @transform_2(%arg0: i32) -> (i32, i32) {
    %c0_i32 = arith.constant 0 : i32
    %c0_i32_0 = arith.constant 0 : i32
    return %arg0, %c0_i32 : i32, i32
  }
  func.func @transform_3(%arg0: i32) -> (i32, i32) {
    %c0_i32 = arith.constant 0 : i32
    %c0_i32_0 = arith.constant 0 : i32
    return %arg0, %c0_i32 : i32, i32
  }
}

module attributes {stable_mosaic.version = 14 : i64} {
  func.func @body(%arg0: i32, %arg1: memref<2x2048x128xf32, #tpu.memory_space<vmem>>, %arg2: memref<2048x128xf32, #tpu.memory_space<vmem>>, %arg3: memref<2048x1xf32, #tpu.memory_space<vmem>>, %arg4: memref<1x128xf32, #tpu.memory_space<vmem>>, %arg5: memref<128x48xf32, #tpu.memory_space<vmem>>, %arg6: memref<2048x48xf32, #tpu.memory_space<vmem>>) attributes {dimension_semantics = [#tpu.dimension_semantics<arbitrary>], iteration_bounds = array<i64: 5>, scalar_prefetch = 0 : i64, scratch_operands = 0 : i64, tpu.core_type = #tpu.core_type<tc>, window_params = [{transform_indices = @transform_0, window_bounds = array<i64: 2, 2048, 128>}, {transform_indices = @transform_1, window_bounds = array<i64: 2048, 128>}, {transform_indices = @transform_2, window_bounds = array<i64: 2048, 1>}, {pipeline_mode = #tpu.pipeline_mode<synchronous>, transform_indices = @transform_3, window_bounds = array<i64: 1, 128>}, {pipeline_mode = #tpu.pipeline_mode<synchronous>, transform_indices = @transform_4, window_bounds = array<i64: 128, 48>}, {transform_indices = @transform_5, window_bounds = array<i64: 2048, 48>}]} {
    %get3A = arith.constant 0 : index
    %get3A_0 = arith.constant 0 : index
    %get3A_1 = vector.load %arg3[%get3A, %get3A_0] : memref<2048x1xf32, #tpu.memory_space<vmem>>, vector<2048x1xf32>
    %get3A_2 = arith.constant 0 : index
    %get3A_3 = arith.constant 0 : index
    %get3A_4 = arith.constant 0 : index
    %get3A_5 = vector.load %arg1[%get3A_2, %get3A_3, %get3A_4] : memref<2x2048x128xf32, #tpu.memory_space<vmem>>, vector<1x2048x128xf32>
    %get3A_6 = vector.shape_cast %get3A_5 : vector<1x2048x128xf32> to vector<2048x128xf32>
    %get3A_7 = arith.constant 1 : index
    %get3A_8 = arith.constant 0 : index
    %get3A_9 = arith.constant 0 : index
    %get3A_10 = vector.load %arg1[%get3A_7, %get3A_8, %get3A_9] : memref<2x2048x128xf32, #tpu.memory_space<vmem>>, vector<1x2048x128xf32>
    %get3A_11 = vector.shape_cast %get3A_10 : vector<1x2048x128xf32> to vector<2048x128xf32>
    %add3A = arith.addf %get3A_6, %get3A_11 : vector<2048x128xf32>
    %get3A_12 = arith.constant 0 : index
    %get3A_13 = arith.constant 0 : index
    %get3A_14 = vector.load %arg2[%get3A_12, %get3A_13] : memref<2048x128xf32, #tpu.memory_space<vmem>>, vector<2048x128xf32>
    %add3A_15 = arith.addf %add3A, %get3A_14 : vector<2048x128xf32>
    %mul3A = vector.broadcast %get3A_1 : vector<2048x1xf32> to vector<2048x128xf32>
    %mul3A_16 = arith.mulf %mul3A, %add3A_15 : vector<2048x128xf32>
    %get3A_17 = arith.constant 0 : index
    %get3A_18 = arith.constant 0 : index
    %get3A_19 = vector.load %arg4[%get3A_17, %get3A_18] : memref<1x128xf32, #tpu.memory_space<vmem>>, vector<1x128xf32>
    %add3A_20 = vector.broadcast %get3A_19 : vector<1x128xf32> to vector<2048x128xf32>
    %add3A_21 = arith.addf %mul3A_16, %add3A_20 : vector<2048x128xf32>
    %max3A = arith.constant 0.000000e+00 : f32
    %max3A_22 = vector.broadcast %max3A : f32 to vector<2048x128xf32>
    %max3A_23 = arith.maximumf %add3A_21, %max3A_22 : vector<2048x128xf32>
    %get3A_24 = arith.constant 0 : index
    %get3A_25 = arith.constant 0 : index
    %get3A_26 = vector.load %arg5[%get3A_24, %get3A_25] : memref<128x48xf32, #tpu.memory_space<vmem>>, vector<128x48xf32>
    %dot_general3A = arith.constant dense<0.000000e+00> : vector<2048x48xf32>
    %dot_general3A_27 = tpu.matmul %max3A_23, %get3A_26, %dot_general3A {dimension_numbers = #tpu.dot_dimension_numbers<[1], [0], [0], [1], [0, 0, 1, 1], [], []>, transpose_lhs_hint = false} : vector<2048x128xf32>, vector<128x48xf32>, vector<2048x48xf32> -> vector<2048x48xf32>
    %mul3A_28 = vector.broadcast %get3A_1 : vector<2048x1xf32> to vector<2048x48xf32>
    %mul3A_29 = arith.mulf %mul3A_28, %dot_general3A_27 : vector<2048x48xf32>
    %swap3A = arith.constant 0 : index
    %swap3A_30 = arith.constant 0 : index
    %swap3A_31 = vector.load %arg6[%swap3A, %swap3A_30] : memref<2048x48xf32, #tpu.memory_space<vmem>>, vector<2048x48xf32>
    tpu.vector_store %arg6[%swap3A, %swap3A_30], %mul3A_29 {strides = array<i32>} : memref<2048x48xf32, #tpu.memory_space<vmem>>, vector<2048x48xf32>,
    return
  }
  func.func @transform_0(%arg0: i32) -> (i32, i32, i32) {
    %c0_i32 = arith.constant 0 : i32
    %c0_i32_0 = arith.constant 0 : i32
    %c0_i32_1 = arith.constant 0 : i32
    return %c0_i32, %arg0, %c0_i32_0 : i32, i32, i32
  }
  func.func @transform_1(%arg0: i32) -> (i32, i32) {
    %c0_i32 = arith.constant 0 : i32
    %c0_i32_0 = arith.constant 0 : i32
    return %arg0, %c0_i32 : i32, i32
  }
  func.func @transform_2(%arg0: i32) -> (i32, i32) {
    %c0_i32 = arith.constant 0 : i32
    %c0_i32_0 = arith.constant 0 : i32
    return %arg0, %c0_i32 : i32, i32
  }
  func.func @transform_3(%arg0: i32) -> (i32, i32) {
    %c0_i32 = arith.constant 0 : i32
    %c0_i32_0 = arith.constant 0 : i32
    %c0_i32_1 = arith.constant 0 : i32
    return %c0_i32, %c0_i32_0 : i32, i32
  }
  func.func @transform_4(%arg0: i32) -> (i32, i32) {
    %c0_i32 = arith.constant 0 : i32
    %c0_i32_0 = arith.constant 0 : i32
    %c0_i32_1 = arith.constant 0 : i32
    return %c0_i32, %c0_i32_0 : i32, i32
  }
  func.func @transform_5(%arg0: i32) -> (i32, i32) {
    %c0_i32 = arith.constant 0 : i32
    %c0_i32_0 = arith.constant 0 : i32
    return %arg0, %c0_i32 : i32, i32
  }
}

module attributes {stable_mosaic.version = 14 : i64} {
  func.func @body(%arg0: i32, %arg1: memref<2x2048x48xf32, #tpu.memory_space<vmem>>, %arg2: memref<2048x48xf32, #tpu.memory_space<vmem>>, %arg3: memref<2048x1xf32, #tpu.memory_space<vmem>>, %arg4: memref<1x40xf32, #tpu.memory_space<vmem>>, %arg5: memref<2048x40xf32, #tpu.memory_space<vmem>>) attributes {dimension_semantics = [#tpu.dimension_semantics<arbitrary>], iteration_bounds = array<i64: 5>, scalar_prefetch = 0 : i64, scratch_operands = 0 : i64, tpu.core_type = #tpu.core_type<tc>, window_params = [{transform_indices = @transform_0, window_bounds = array<i64: 2, 2048, 48>}, {transform_indices = @transform_1, window_bounds = array<i64: 2048, 48>}, {transform_indices = @transform_2, window_bounds = array<i64: 2048, 1>}, {pipeline_mode = #tpu.pipeline_mode<synchronous>, transform_indices = @transform_3, window_bounds = array<i64: 1, 40>}, {transform_indices = @transform_4, window_bounds = array<i64: 2048, 40>}]} {
    %get3A = arith.constant 0 : index
    %get3A_0 = arith.constant 0 : index
    %get3A_1 = vector.load %arg3[%get3A, %get3A_0] : memref<2048x1xf32, #tpu.memory_space<vmem>>, vector<2048x1xf32>
    %get3A_2 = arith.constant 0 : index
    %get3A_3 = arith.constant 0 : index
    %get3A_4 = arith.constant 0 : index
    %get3A_5 = vector.load %arg1[%get3A_2, %get3A_3, %get3A_4] : memref<2x2048x48xf32, #tpu.memory_space<vmem>>, vector<1x2048x48xf32>
    %get3A_6 = vector.shape_cast %get3A_5 : vector<1x2048x48xf32> to vector<2048x48xf32>
    %get3A_7 = arith.constant 1 : index
    %get3A_8 = arith.constant 0 : index
    %get3A_9 = arith.constant 0 : index
    %get3A_10 = vector.load %arg1[%get3A_7, %get3A_8, %get3A_9] : memref<2x2048x48xf32, #tpu.memory_space<vmem>>, vector<1x2048x48xf32>
    %get3A_11 = vector.shape_cast %get3A_10 : vector<1x2048x48xf32> to vector<2048x48xf32>
    %add3A = arith.addf %get3A_6, %get3A_11 : vector<2048x48xf32>
    %get3A_12 = arith.constant 0 : index
    %get3A_13 = arith.constant 0 : index
    %get3A_14 = vector.load %arg2[%get3A_12, %get3A_13] : memref<2048x48xf32, #tpu.memory_space<vmem>>, vector<2048x48xf32>
    %add3A_15 = arith.addf %add3A, %get3A_14 : vector<2048x48xf32>
    %mul3A = vector.broadcast %get3A_1 : vector<2048x1xf32> to vector<2048x48xf32>
    %mul3A_16 = arith.mulf %mul3A, %add3A_15 : vector<2048x48xf32>
    %slice3A = vector.extract_strided_slice %mul3A_16 {offsets = [0, 0], sizes = [2048, 40], strides = [1, 1]} : vector<2048x48xf32> to vector<2048x40xf32>
    %get3A_17 = arith.constant 0 : index
    %get3A_18 = arith.constant 0 : index
    %get3A_19 = vector.load %arg4[%get3A_17, %get3A_18] : memref<1x40xf32, #tpu.memory_space<vmem>>, vector<1x40xf32>
    %add3A_20 = vector.broadcast %get3A_19 : vector<1x40xf32> to vector<2048x40xf32>
    %add3A_21 = arith.addf %slice3A, %add3A_20 : vector<2048x40xf32>
    %swap3A = arith.constant 0 : index
    %swap3A_22 = arith.constant 0 : index
    %swap3A_23 = vector.load %arg5[%swap3A, %swap3A_22] : memref<2048x40xf32, #tpu.memory_space<vmem>>, vector<2048x40xf32>
    tpu.vector_store %arg5[%swap3A, %swap3A_22], %add3A_21 {strides = array<i32>} : memref<2048x40xf32, #tpu.memory_space<vmem>>, vector<2048x40xf32>,
    return
  }
  func.func @transform_0(%arg0: i32) -> (i32, i32, i32) {
    %c0_i32 = arith.constant 0 : i32
    %c0_i32_0 = arith.constant 0 : i32
    %c0_i32_1 = arith.constant 0 : i32
    return %c0_i32, %arg0, %c0_i32_0 : i32, i32, i32
  }
  func.func @transform_1(%arg0: i32) -> (i32, i32) {
    %c0_i32 = arith.constant 0 : i32
    %c0_i32_0 = arith.constant 0 : i32
    return %arg0, %c0_i32 : i32, i32
  }
  func.func @transform_2(%arg0: i32) -> (i32, i32) {
    %c0_i32 = arith.constant 0 : i32
    %c0_i32_0 = arith.constant 0 : i32
    return %arg0, %c0_i32 : i32, i32
  }
  func.func @transform_3(%arg0: i32) -> (i32, i32) {
    %c0_i32 = arith.constant 0 : i32
    %c0_i32_0 = arith.constant 0 : i32
    %c0_i32_1 = arith.constant 0 : i32
    return %c0_i32, %c0_i32_0 : i32, i32
  }
  func.func @transform_4(%arg0: i32) -> (i32, i32) {
    %c0_i32 = arith.constant 0 : i32
    %c0_i32_0 = arith.constant 0 : i32
    return %arg0, %c0_i32 : i32, i32
  }
}

</mosaic_0001>

<sc_bundles>
// kernel: kernel.12.cloned.1.call-start
scs
__scs_entry_jumppad:
0x0: {  	(pc) =	sbr.rel $0x88, $3  }
0x1: {  	(tag) =	ssettag $0x0;
	lr =	simm.s32 $0x1  }
0x2: {  	[smem:$0x3F9B] =	sst lr;
	_ =	strace $0xD0000000  }
0x3: {  	_ = 	snop  }
0x4: {  	_ = 	snop  }
0x5: {  	_ = 	snop  }
0x6: {  	_ = 	snop  }
0x7: {  	_ = 	snop  }
__scs_overlays_trampoline_lowered:
0x8: {  	[smem:$0x3FAA] =	sst s0  }
0x9: {  	[smem:$0x3FAB] =	sst s1  }
0xa: {  	[smem:$0x3FAC] =	sst s2  }
0xb: {  	[smem:$0x3FAD] =	sst s3  }
0xc: {  	[smem:$0x3FAE] =	sst s4  }
0xd: {  	[smem:$0x3FAF] =	sst s5  }
0xe: {  	[smem:$0x3FB0] =	sst s6  }
0xf: {  	[smem:$0x3FB1] =	sst s7  }
0x10: {  	[smem:$0x3FB2] =	sst s8  }
0x11: {  	[smem:$0x3FB3] =	sst s9;
	s0 =	simm.s32 @!p0 $0x0  }
0x12: {  	s1 =	sld [smem:$0x3F99];
	s0 =	simm.s32 @p0 $0x1  }
0x13: {  	[smem:$0x3FB4] =	sst s0;
	s0 =	simm.s32 @!p1 $0x0  }
0x14: {  	s2 =	sld [smem:$0x3F98];
	s0 =	simm.s32 @p1 $0x1  }
0x15: {  	[smem:$0x3FB5] =	sst s0;
	s0 =	simm.s32 @!p2 $0x0  }
0x16: {  	s3 =	sld [smem:$0x3FDB];
	s0 =	simm.s32 @p2 $0x1  }
0x17: {  	s4 =	simm.s32 $0x1BF5;
	[smem:$0x3FB7] =	sst s0  }
0x18: {  	s0 =	sld [smem:$0x3F9A];
	_ =	swait.ge [sflag:s4], $0x0  }
0x19: {  	s7 =	sld [smem:$0x3F9B]  }
0x1a: {  	s8 =	sadd.s32 $0xFFFFE003, lr  }
0x1b: {  	s9 =	sadd.s32 $0xFFFFFEF7, lr;
	s5 =	simm.s32 $0xFFFFFFFF;
	p2 =	slt.u32 s8, $0xFFFFF086  }
0x1c: {  	p1 =	slt.u32 s9, $0xF7A;
	s5 =	simm.s32 @!p2 $0x0  }
0x1d: {  	s5 =	simm.s32 @p1 $0x1;
	p0 =	seq.s32 s7, s2  }
0x1e: {  	s7 =	smul.u32 @!p0 $0xF7A, s2;
	p2 =	seq.s32 @!p0 s5, $0x0  }
0x1f: {  	s9 =	smul.u32 $0xF7A, s1;
	s8 =	simm.s32 @!p0 $0x1BF5;
	p2 =	por !p2, p0  }
0x20: {  	[sflag:s8] =	ssyncset.s32 @!p0 $0xFFFFF086;
	s6 =	sadd.s32 @!p0 s3, s7;
	s7 =	simm.s32 @!p0 $0x108  }
0x21: {  	s3 =	sadd.s32 s3, s9;
	s6 =	sadd.s32 @!p0 $0x88, s6;
	s7 =	simm.s32 @p2 $0x1082  }
0x22: {  	[simem:s7], [sflag:s8] =	dma.local @!p0 [hbm:s6], $0xF7A  }
0x23: {  	s9 =	sor.u32 $0xD0000000, s2;
	s6 =	simm.s32 $0x108;
	_ =	swait.ge @!p0 [sflag:s8], $0x0  }
0x24: {  	s3 =	sadd.s32 $0x88, s3;
	s6 =	simm.s32 @!p1 $0x1082;
	[sflag:s4] =	ssyncset.s32 $0xFFFFF086  }
0x25: {  	[simem:s6], [sflag:s4] =	dma.local [hbm:s3], $0xF7A  }
0x26: {  	[smem:$0x3F9B] =	sst s1;
	(tag) =	ssettag s2;
	_ =	strace s9  }
0x27: {  	s1 =	sld [smem:$0x3FAB]  }
0x28: {  	s2 =	sld [smem:$0x3FAC]  }
0x29: {  	s4 =	sld [smem:$0x3FAE]  }
0x2a: {  	p0 =	seq.s32 s5, $0x0;
	s5 =	sld [smem:$0x3FAF]  }
0x2b: {  	s6 =	sld [smem:$0x3FB0]  }
0x2c: {  	s7 =	sld [smem:$0x3FB1]  }
0x2d: {  	s3 =	simm.s32 $0x108;
	s8 =	sld [smem:$0x3FB2]  }
0x2e: {  	s3 =	simm.s32 @!p0 $0x1082;
	s9 =	sld [smem:$0x3FB3]  }
0x2f: {  	lr =	sadd.s32 s0, s3;
	s0 =	sld [smem:$0x3FAA]  }
0x30: {  	s3 =	sld [smem:$0x3FAD]  }
0x31: {  	[smem:$0x3FB6] =	sst s10  }
0x32: {  	s10 =	sld [smem:$0x3FB4];
	_ =	sdelay $0x3  }
0x33: {  	p0 =	seq.s32 s10, $0x1;
	s10 =	sld [smem:$0x3FB6];
	_ =	sdelay $0x3  }
0x34: {  	[smem:$0x3FB6] =	sst s10  }
0x35: {  	s10 =	sld [smem:$0x3FB5];
	_ =	sdelay $0x3  }
0x36: {  	p1 =	seq.s32 s10, $0x1;
	s10 =	sld [smem:$0x3FB6];
	_ =	sdelay $0x3  }
0x37: {  	[smem:$0x3FB6] =	sst s10  }
0x38: {  	s10 =	sld [smem:$0x3FB7]  }
0x39: {  	_ = 	snop;
	(pc) =	sbr.ind lr, $3  }
0x3a: {  	_ = 	snop  }
0x3b: {  	_ = 	snop  }
0x3c: {  	p2 =	seq.s32 s10, $0x1;
	s10 =	sld [smem:$0x3FB6]  }
0x3d: {  	_ =	shalt  }
0x3e: {  	_ =	shalt  }
0x3f: {  	_ =	shalt  }
0x40: {  	_ =	shalt  }
0x41: {  	_ =	shalt  }
0x42: {  	_ =	shalt  }
0x43: {  	_ =	shalt  }
0x44: {  	_ =	shalt  }
0x45: {  	_ =	shalt  }
0x46: {  	_ =	shalt  }
0x47: {  	_ =	shalt  }
0x48: {  	_ =	shalt  }
0x49: {  	_ =	shalt  }
0x4a: {  	_ =	shalt  }
0x4b: {  	_ =	shalt  }
0x4c: {  	_ =	shalt  }
0x4d: {  	_ =	shalt  }
0x4e: {  	_ =	shalt  }
0x4f: {  	_ =	shalt  }
0x50: {  	_ =	shalt  }
0x51: {  	_ =	shalt  }
0x52: {  	_ =	shalt  }
0x53: {  	_ =	shalt  }
0x54: {  	_ =	shalt  }
0x55: {  	_ =	shalt  }
0x56: {  	_ =	shalt  }
0x57: {  	_ =	shalt  }
0x58: {  	_ =	shalt  }
0x59: {  	_ =	shalt  }
0x5a: {  	_ =	shalt  }
0x5b: {  	_ =	shalt  }
0x5c: {  	_ =	shalt  }
0x5d: {  	_ =	shalt  }
0x5e: {  	_ =	shalt  }
0x5f: {  	_ =	shalt  }
0x60: {  	_ =	shalt  }
0x61: {  	_ =	shalt  }
0x62: {  	_ =	shalt  }
0x63: {  	_ =	shalt  }
0x64: {  	_ =	shalt  }
0x65: {  	_ =	shalt  }
0x66: {  	_ =	shalt  }
0x67: {  	_ =	shalt  }
0x68: {  	_ =	shalt  }
0x69: {  	_ =	shalt  }
0x6a: {  	_ =	shalt  }
0x6b: {  	_ =	shalt  }
0x6c: {  	_ =	shalt  }
0x6d: {  	_ =	shalt  }
0x6e: {  	_ =	shalt  }
0x6f: {  	_ =	shalt  }
0x70: {  	_ =	shalt  }
0x71: {  	_ =	shalt  }
0x72: {  	_ =	shalt  }
0x73: {  	_ =	shalt  }
0x74: {  	_ =	shalt  }
0x75: {  	_ =	shalt  }
0x76: {  	_ =	shalt  }
0x77: {  	_ =	shalt  }
0x78: {  	_ =	shalt  }
0x79: {  	_ =	shalt  }
0x7a: {  	_ =	shalt  }
0x7b: {  	_ =	shalt  }
0x7c: {  	_ =	shalt  }
0x7d: {  	_ =	shalt  }
0x7e: {  	_ =	shalt  }
0x7f: {  	_ =	shalt  }
0x80: {  	_ =	shalt  }
0x81: {  	_ =	shalt  }
0x82: {  	_ =	shalt  }
0x83: {  	_ =	shalt  }
0x84: {  	_ =	shalt  }
0x85: {  	_ =	shalt  }
0x86: {  	_ =	shalt  }
0x87: {  	_ =	shalt  }
.Lfunc_end0:
.L_simem_size_0:
called_computation.1_lowered:
.L_overlay_start_0:
0x88: {  	s2 =	sld [smem:$0x3FD9]  }
0x89: {  	s3 =	sld [smem:$0x3FFE];
	_ =	sdelay $0x1  }
0x8a: {  	s1 =	srdreg.scid  }
0x8b: {  	s0 =	sand.u32 $0x1, s1  }
0x8c: {  	s17 =	sshll.u32 s0, $0xA;
	s2 =	sadd.s32 s3, s2  }
0x8d: {  	s2 =	sadd.s32 s2, s17  }
0x8e: {  	[smem:$0x3FC2] =	sst s2  }
0x8f: {  	_ = 	snop  }
0x90: {  	s2 =	sld [smem:$0x3FD0];
	(tm) =	ssettm $0x1  }
0x91: {  	s18 =	sld [smem:$0x3FFB];
	_ =	sdelay $0x3  }
0x92: {  	_ =	strace s18  }
0x93: {  	s3 =	sld [smem:$0x3FFC];
	_ =	sdelay $0x3  }
0x94: {  	_ =	strace s3  }
0x95: {  	s3 =	sld [smem:$0x3FFD];
	_ =	sdelay $0x3  }
0x96: {  	_ =	strace s3  }
0x97: {  	_ =	strace $0x8FFFFFFF  }
0x98: {  	s19 =	sld [smem:$0x3FDB];
	_ =	sdelay $0x1  }
0x99: {  	s4 =	simm.s32 $_scs_section_size  }
0x9a: {  	s5 =	simm.s32 $_size__tile_overlayer_lowered;
	s6 =	simm.s32 $_tile_overlayer_lowered  }
0x9b: {  	s22 =	simm.s32 $0x1BFF;
	s21 =	sshll.u32 s6, $0x1;
	s3 =	sadd.s32 s4, s19  }
0x9c: {  	s7 =	simm.s32 $0x0;
	s20 =	sshll.u32 s5, $0x1;
	s5 =	sadd.s32 s21, s3  }
0x9d: {  	[timem:s7], [sflag:s22] =	dma.local [hbm:s5], s20  }
0x9e: {  	_ =	swait.ge [sflag:s22], s20  }
0x9f: {  	s4 =	ssub.s32 $0x0, s20;
	[sflag:s22] =	ssyncset.done $0x0  }
0xa0: {  	[sflag:s22] =	ssyncadd.s32 s4;
	_ =	sdelay $0x1  }
0xa1: {  	s23 =	simm.s32 $0x1B8B  }
0xa2: {  	_ =	swait.ge [sflag:s23], $0x1  }
0xa3: {  	[sflag:s23] =	ssyncset.done $0x0  }
0xa4: {  	s25 =	simm.s32 $0x1B8E;
	s24 =	sld [smem:$0x3FFE];
	[sflag:s23] =	ssyncadd.s32 $0xFFFFFFFF  }
0xa5: {  	s26 =	simm.s32 $execute0_lowered;
	[smem:$0x3FD2] =	sst s25  }
0xa6: {  	s5 =	sshll.u32 s26, $0x1;
	_ =	strace $0x80000049;
	[dreg:$0x1] =	wrdreg $0xFFFFFFFF  }
0xa7: {  	s28 =	simm.s32 $_size_execute0_lowered;
	s3 =	sadd.s32 s3, s5;
	[dreg:$0x0] =	wrdreg $0x0  }
0xa8: {  	s5 =	sshll.u32 s28, $0x1;
	[dreg:$0x2] =	wrdreg s3  }
0xa9: {  	[dreg:$0x3] =	wrdreg s5  }
0xaa: {  	[dreg:$0x4] =	wrdreg $0xC0  }
0xab: {  	_ =	task [dreg:s7], $0x5FFFF  }
0xac: {  	[dreg:$0x1] =	wrdreg $0xFFFFFFFF  }
0xad: {  	[dreg:$0x0] =	wrdreg $0x60  }
0xae: {  	[dreg:$0x2] =	wrdreg s2  }
0xaf: {  	[dreg:$0x3] =	wrdreg s24  }
0xb0: {  	[dreg:$0x4] =	wrdreg $0xB1000  }
0xb1: {  	[dreg:$0x5] =	wrdreg $0x9  }
0xb2: {  	_ =	task.clear_ibuf [dreg:s7], $0x6FFFF;
	_ =	strace $0x90000049  }
0xb3: {  	s29 =	simm.s32 $0x9;
	_ =	strace $0x8000004B  }
0xb4: {  	_ =	swait.ge [sflag:s29], $0x1  }
0xb5: {  	[sflag:s29] =	ssyncadd.s32 $0xFFFFFFFF  }
0xb6: {  	_ =	strace $0x9000004B  }
0xb7: {  	_ =	sfence  }
0xb8: {  	s30 =	sld [smem:$0x0];
	_ =	sdelay $0x2  }
0xb9: {  	s31 =	sshll.u32 s1, $0xD;
	s1 =	sshrl.u32 s1, $0x2  }
0xba: {  	s3 =	sand.u32 $0x4000, s31;
	s1 =	sadd.s32 s1, s30  }
0xbb: {  	s0 =	sor.u32 s3, s0;
	s1 =	sshll.u32 s1, $0x11  }
0xbc: {  	s0 =	sor.u32 s1, s0  }
0xbd: {  	s0 =	sadd.s32 $0x8F2B, s0  }
0xbe: {  	[sflag:s0] =	ssyncadd.remote.s32 $0x1  }
0xbf: {  	_ =	sfence.sel $0xFFFF  }
0xc0: {  	[dreg:$0x0] =	wrdreg $0xFFFFFFFF;
	(pc) =	sbr.abs _section_cstart, $3  }
0xc1: {  	[dreg:$0x1] =	wrdreg $0xFFFFFFFF  }
0xc2: {  	_ =	task.clear_ibuf [dreg:s7], $0x2FFFF;
	_ =	strace $0x9FFFFFFF  }
0xc3: {  	(tm) =	ssettm $0x7FFFFFFF  }
tec
execute0_lowered:
.L_overlay_start_1:
0x0: {  	(tag) =	ssettag $0x1  }
0x1: {  	s0 =	rddreg [dreg:$0x0]  }
0x2: {  	s1 =	srdreg.scid;
	s3 =	rddreg [dreg:$0x1]  }
0x3: {  	s2 =	rddreg [dreg:$0x2];
	s10 =	stileid.u32  }
0x4: {  	s5 =	simm.s32 $0x0;
	s18 =	simm.s32 $0x7;
	s19 =	simm.s32 $0x2880  }
0x5: {  	s28 =	simm.s32 $0x1;
	s30 =	simm.s32 $0x2;
	s29 =	simm.s32 $0x3  }
0x6: {  	s31 =	simm.s32 $0x6;
	s1 =	sand.u32 $0x1, s1;
	s9 =	smul.u32 $0x50000, s10  }
0x7: {  	[smem:$0x7FF] =	sst s5;
	s22 =	smul.u32 $0x14000, s10;
	s4 =	sshll.u32 s1, $0x4  }
0x8: {  	_ =	strace $0x8000004A;
	s6 =	smul.u32 $0x28000, s1;
	s1 =	ssub.s32 $0x2, s1  }
0x9: {  	s4 =	sor.u32 s10, s4;
	s8 =	sshrl.u32 s1, $0x1;
	s21 =	sshrl.u32 s9, $0x2  }
0xa: {  	s25 =	sshrl.u32 s22, $0x3;
	s5 =	sadd.s32 s22, s2;
	s20 =	smul.u32 $0x510, s4  }
0xb: {  	s22 =	simm.s32 $0x40;
	s4 =	sadd.s32 $0xC400, s3;
	s1 =	ssub.s32 s1, s8  }
0xc: {  	s1 =	smax.u32 s1, $0x1;
	s7 =	sadd.s32 s20, s3;
	s3 =	sadd.s32 s6, s3  }
0xd: {  	s0 =	sadd.s32 s0, s20;
	[dreg:$0x6] =	wrdreg s1;
	s20 =	simm.s32 $0x9100  }
0xe: {  	s1 =	simm.s32 $0x5;
	[dreg:$0x4] =	wrdreg s0;
	s23 =	sadd.s32 $0x2200, s7  }
0xf: {  	s7 =	sadd.s32 s21, s2;
	s24 =	sadd.s32 $0x33600, s3;
	s21 =	simm.s32 $0x8  }
0x10: {  	s0 =	simm.s32 $0x4;
	s3 =	simm.s32 $0x0;
	[dreg:$0x5] =	wrdreg s23  }
.Ltmp0:
0x11: {  	s26 =	sadd.s32 $0x2000, s7;
	s10 =	sadd.s32 $0x4000, s7;
	(pc) =	sbr.rel .LBB2_1-.Ltmp0, $4  }
0x12: {  	s11 =	sadd.s32 $0x6000, s7;
	s12 =	sadd.s32 $0x8000, s7;
	s13 =	sadd.s32 $0xA000, s7  }
0x13: {  	s14 =	sadd.s32 $0xC000, s7;
	s15 =	sadd.s32 $0xE000, s7;
	s16 =	sadd.s32 $0x10000, s7  }
0x14: {  	s17 =	sadd.s32 $0x12000, s7;
	s23 =	sadd.s32 s25, s24;
	s24 =	simm.s32 $0x5100  }
0x15: {  	v0 =	vimm.f32 $0.0e+00;
	s25 =	sshrl.u32 s5, $0x3;
	[dreg:$0x7] =	wrdreg s26;
	s26 =	simm.s32 $0x7100  }
.LBB2_6:
0x16: {  	_ =	swait.ge [sflag:s29], $0x2000  }
0x17: {  	[sflag:s29] =	ssyncset.done $0x0  }
0x18: {  	[sflag:s29] =	ssyncadd.s32 $0xFFFFE000  }
0x19: {  	[spmem:s2] =	stream.indirect.scatter.add.f32 [tilespmem:s20], [sflag:$0x6], $0x80, s8, s22, $0xb8;
	[tilespmem:$0x1F100] =	vst v63  }
0x1a: {  	_ =	swait.ge [sflag:s1], $0x2000  }
0x1b: {  	[sflag:s1] =	ssyncset.done $0x0  }
0x1c: {  	[sflag:s1] =	ssyncadd.s32 $0xFFFFE000  }
0x1d: {  	_ =	swait.ge [sflag:s31], $0x2000  }
0x1e: {  	s5 =	stileid.u32;
	[sflag:s31] =	ssyncset.done $0x0  }
0x1f: {  	s5 =	sshll.u32 s5, $0x6;
	[sflag:s31] =	ssyncadd.s32 $0xFFFFE000  }
0x20: {  	s5 =	sor.u32 $0x1C08, s5;
	[bflag:$0x0] =	sbarrier.arrive $0xFFFF  }
0x21: {  	[hbm:s23], [sflag:s5] =	dma.local [spmem:s25], $0x2800  }
0x22: {  	_ =	swait.ge [sflag:s21], $0x2800  }
0x23: {  	s3 =	sadd.s32 $0x1, s3;
	s9 =	rddreg [dreg:$0x6]  }
0x24: {  	p0 =	sne.s32 s3, s9  }
.Ltmp1:
0x25: {  	_ = 	snop;
	(pc) =	sbr.rel @!p0 .LBB2_7-.Ltmp1, $3  }
0x26: {  	_ =	sdelay $0x1  }
0x27: {  	[sflag:s21] =	ssyncset.done $0x0  }
0x28: {  	[sflag:s21] =	ssyncadd.s32 $0xFFFFD800  }
.LBB2_1:
0x29: {  	s5 =	simm.s32 $0x0;
	s6 =	rddreg [dreg:$0x4]  }
0x2a: {  	[tilespmem:s5], [sflag:$0x7] =	stream.linear.gather [hbm4b:s6+s5], $0x2880, $0x38;
	[tilespmem:$0x1F100] =	vst v63  }
0x2b: {  	_ =	swait.ge [sflag:s18], $0x2880  }
0x2c: {  	[sflag:s18] =	ssyncset.done $0x0  }
0x2d: {  	s9 =	rddreg [dreg:$0x5];
	[sflag:s18] =	ssyncadd.s32 $0xFFFFD780  }
0x2e: {  	[tilespmem:s19], [sflag:$0x7] =	stream.linear.gather [hbm4b:s9+s5], $0x2880, $0x38;
	[tilespmem:$0x1F100] =	vst v63  }
0x2f: {  	_ =	swait.ge [sflag:s18], $0x2880  }
0x30: {  	[sflag:s18] =	ssyncset.done $0x0  }
0x31: {  	s6 =	simm.s32 $0x200;
	s5 =	simm.s32 $0x0;
	[sflag:s18] =	ssyncadd.s32 $0xFFFFD780  }
.LBB2_2:
0x32: {  	p0 =	sne.s32 s6, $0x7E00;
	[tilespmem:s5+$0x9170] =	vst v0  }
0x33: {  	[tilespmem:s5+$0x9100] =	vst v0  }
0x34: {  	[tilespmem:s5+$0x9110] =	vst v0  }
.Ltmp2:
0x35: {  	[tilespmem:s5+$0x9120] =	vst v0;
	(pc) =	sbr.rel @p0 .LBB2_2-.Ltmp2, $4  }
0x36: {  	[tilespmem:s5+$0x9130] =	vst v0  }
0x37: {  	[tilespmem:s5+$0x9140] =	vst v0  }
0x38: {  	[tilespmem:s5+$0x9150] =	vst v0  }
0x39: {  	[tilespmem:s5+$0x9160] =	vst v0;
	s5 =	sshra.s32 s6, $0x2;
	s6 =	sadd.s32 $0x200, s6  }
0x3a: {  	[tilespmem:s5+$0x9170] =	vst v0  }
0x3b: {  	[tilespmem:s5+$0x9100] =	vst v0  }
0x3c: {  	[tilespmem:s5+$0x9110] =	vst v0  }
0x3d: {  	[tilespmem:s5+$0x9120] =	vst v0  }
0x3e: {  	[tilespmem:s5+$0x9130] =	vst v0  }
0x3f: {  	[tilespmem:s5+$0x9140] =	vst v0  }
0x40: {  	[tilespmem:s5+$0x9150] =	vst v0  }
0x41: {  	[tilespmem:s5+$0x9160] =	vst v0  }
0x42: {  	[spmem:s7] =	stream.linear.scatter [tilespmem:s20], [sflag:$0x8], $0x2000, $0x38;
	[tilespmem:$0x1F100] =	vst v63  }
0x43: {  	_ =	swait.ge [sflag:s21], $0x2000  }
0x44: {  	[sflag:s21] =	ssyncset.done $0x0  }
0x45: {  	s6 =	rddreg [dreg:$0x7];
	[sflag:s21] =	ssyncadd.s32 $0xFFFFE000  }
0x46: {  	[spmem:s6] =	stream.linear.scatter [tilespmem:s20], [sflag:$0x8], $0x2000, $0x38;
	[tilespmem:$0x1F100] =	vst v63  }
0x47: {  	_ =	swait.ge [sflag:s21], $0x2000  }
0x48: {  	[sflag:s21] =	ssyncset.done $0x0  }
0x49: {  	[sflag:s21] =	ssyncadd.s32 $0xFFFFE000  }
0x4a: {  	[spmem:s10] =	stream.linear.scatter [tilespmem:s20], [sflag:$0x8], $0x2000, $0x38;
	[tilespmem:$0x1F100] =	vst v63  }
0x4b: {  	_ =	swait.ge [sflag:s21], $0x2000  }
0x4c: {  	[sflag:s21] =	ssyncset.done $0x0  }
0x4d: {  	[sflag:s21] =	ssyncadd.s32 $0xFFFFE000  }
0x4e: {  	[spmem:s11] =	stream.linear.scatter [tilespmem:s20], [sflag:$0x8], $0x2000, $0x38;
	[tilespmem:$0x1F100] =	vst v63  }
0x4f: {  	_ =	swait.ge [sflag:s21], $0x2000  }
0x50: {  	[sflag:s21] =	ssyncset.done $0x0  }
0x51: {  	[sflag:s21] =	ssyncadd.s32 $0xFFFFE000  }
0x52: {  	[spmem:s12] =	stream.linear.scatter [tilespmem:s20], [sflag:$0x8], $0x2000, $0x38;
	[tilespmem:$0x1F100] =	vst v63  }
0x53: {  	_ =	swait.ge [sflag:s21], $0x2000  }
0x54: {  	[sflag:s21] =	ssyncset.done $0x0  }
0x55: {  	[sflag:s21] =	ssyncadd.s32 $0xFFFFE000  }
0x56: {  	[spmem:s13] =	stream.linear.scatter [tilespmem:s20], [sflag:$0x8], $0x2000, $0x38;
	[tilespmem:$0x1F100] =	vst v63  }
0x57: {  	_ =	swait.ge [sflag:s21], $0x2000  }
0x58: {  	[sflag:s21] =	ssyncset.done $0x0  }
0x59: {  	[sflag:s21] =	ssyncadd.s32 $0xFFFFE000  }
0x5a: {  	[spmem:s14] =	stream.linear.scatter [tilespmem:s20], [sflag:$0x8], $0x2000, $0x38;
	[tilespmem:$0x1F100] =	vst v63  }
0x5b: {  	_ =	swait.ge [sflag:s21], $0x2000  }
0x5c: {  	[sflag:s21] =	ssyncset.done $0x0  }
0x5d: {  	[sflag:s21] =	ssyncadd.s32 $0xFFFFE000  }
0x5e: {  	[spmem:s15] =	stream.linear.scatter [tilespmem:s20], [sflag:$0x8], $0x2000, $0x38;
	[tilespmem:$0x1F100] =	vst v63  }
0x5f: {  	_ =	swait.ge [sflag:s21], $0x2000  }
0x60: {  	[sflag:s21] =	ssyncset.done $0x0  }
0x61: {  	[sflag:s21] =	ssyncadd.s32 $0xFFFFE000  }
0x62: {  	[spmem:s16] =	stream.linear.scatter [tilespmem:s20], [sflag:$0x8], $0x2000, $0x38;
	[tilespmem:$0x1F100] =	vst v63  }
0x63: {  	_ =	swait.ge [sflag:s21], $0x2000  }
0x64: {  	[sflag:s21] =	ssyncset.done $0x0  }
0x65: {  	[sflag:s21] =	ssyncadd.s32 $0xFFFFE000  }
0x66: {  	[spmem:s17] =	stream.linear.scatter [tilespmem:s20], [sflag:$0x8], $0x2000, $0x38;
	[tilespmem:$0x1F100] =	vst v63  }
0x67: {  	_ =	swait.ge [sflag:s21], $0x2000  }
0x68: {  	[sflag:s21] =	ssyncset.done $0x0  }
0x69: {  	[sflag:s21] =	ssyncadd.s32 $0xFFFFE000  }
0x6a: {  	s5 =	simm.s32 $0x0;
	[bflag:$0x0] =	sbarrier.arrive $0xFFFF  }
0x6b: {  	[tilespmem:s24], [sflag:$0x1] =	stream.indirect.gather [hbm4b:s4+s22], $0x80, s5, s22, $0xb8;
	[tilespmem:$0x1F100] =	vst v63  }
0x6c: {  	_ = 	snop  }
0x6d: {  	[tilespmem:s26], [sflag:$0x2] =	stream.indirect.gather [hbm4b:s4+s22], $0x80, s22, s22, $0xb8;
	[tilespmem:$0x1F100] =	vst v63  }
0x6e: {  	_ =	swait.ge [sflag:s28], $0x2000  }
0x6f: {  	[sflag:s28] =	ssyncset.done $0x0  }
0x70: {  	[sflag:s28] =	ssyncadd.s32 $0xFFFFE000  }
0x71: {  	[spmem:s2] =	stream.indirect.scatter.add.f32 [tilespmem:s24], [sflag:$0x4], $0x80, s19, s22, $0xb8;
	[tilespmem:$0x1F100] =	vst v63  }
0x72: {  	s6 =	simm.s32 $0x80  }
0x73: {  	[tilespmem:s20], [sflag:$0x3] =	stream.indirect.gather [hbm4b:s4+s22], $0x80, s6, s22, $0xb8;
	[tilespmem:$0x1F100] =	vst v63  }
0x74: {  	_ =	swait.ge [sflag:s30], $0x2000  }
0x75: {  	[sflag:s30] =	ssyncset.done $0x0  }
0x76: {  	s8 =	simm.s32 $0x28C0;
	[sflag:s30] =	ssyncadd.s32 $0xFFFFE000  }
0x77: {  	[spmem:s2] =	stream.indirect.scatter.add.f32 [tilespmem:s26], [sflag:$0x5], $0x80, s8, s22, $0xb8;
	[tilespmem:$0x1F100] =	vst v63  }
0x78: {  	_ =	swait.ge [sflag:s0], $0x2000  }
0x79: {  	[sflag:s0] =	ssyncset.done $0x0  }
0x7a: {  	s9 =	simm.s32 $0xC0;
	[sflag:s0] =	ssyncadd.s32 $0xFFFFE000  }
0x7b: {  	[tilespmem:s24], [sflag:$0x1] =	stream.indirect.gather [hbm4b:s4+s22], $0x80, s9, s22, $0xb8;
	[tilespmem:$0x1F100] =	vst v63  }
0x7c: {  	_ =	swait.ge [sflag:s29], $0x2000  }
0x7d: {  	[sflag:s29] =	ssyncset.done $0x0  }
0x7e: {  	s8 =	simm.s32 $0x2900;
	[sflag:s29] =	ssyncadd.s32 $0xFFFFE000  }
0x7f: {  	[spmem:s2] =	stream.indirect.scatter.add.f32 [tilespmem:s20], [sflag:$0x6], $0x80, s8, s22, $0xb8;
	[tilespmem:$0x1F100] =	vst v63  }
0x80: {  	_ =	swait.ge [sflag:s1], $0x2000  }
0x81: {  	[sflag:s1] =	ssyncset.done $0x0  }
0x82: {  	s9 =	simm.s32 $0x100;
	[sflag:s1] =	ssyncadd.s32 $0xFFFFE000  }
0x83: {  	[tilespmem:s26], [sflag:$0x2] =	stream.indirect.gather [hbm4b:s4+s22], $0x80, s9, s22, $0xb8;
	[tilespmem:$0x1F100] =	vst v63  }
.LBB2_4:
0x84: {  	_ =	swait.ge [sflag:s28], $0x2000  }
0x85: {  	s6 =	sshra.s32 s5, $0x2;
	[sflag:s28] =	ssyncset.done $0x0  }
0x86: {  	s8 =	sadd.s32 $0x2940, s6;
	[sflag:s28] =	ssyncadd.s32 $0xFFFFE000  }
0x87: {  	[spmem:s2] =	stream.indirect.scatter.add.f32 [tilespmem:s24], [sflag:$0x4], $0x80, s8, s22, $0xb8;
	[tilespmem:$0x1F100] =	vst v63  }
0x88: {  	_ =	swait.ge [sflag:s31], $0x2000  }
0x89: {  	[sflag:s31] =	ssyncset.done $0x0  }
0x8a: {  	s9 =	sadd.s32 $0x140, s6;
	[sflag:s31] =	ssyncadd.s32 $0xFFFFE000  }
0x8b: {  	[tilespmem:s20], [sflag:$0x3] =	stream.indirect.gather [hbm4b:s4+s22], $0x80, s9, s22, $0xb8;
	[tilespmem:$0x1F100] =	vst v63  }
0x8c: {  	_ =	swait.ge [sflag:s30], $0x2000  }
0x8d: {  	p0 =	seq.s32 s5, $0x9C00;
	[sflag:s30] =	ssyncset.done $0x0  }
.Ltmp3:
0x8e: {  	s9 =	sadd.s32 $0x2980, s6;
	[sflag:s30] =	ssyncadd.s32 $0xFFFFE000;
	(pc) =	sbr.rel @p0 .LBB2_6-.Ltmp3, $4  }
0x8f: {  	[spmem:s2] =	stream.indirect.scatter.add.f32 [tilespmem:s26], [sflag:$0x5], $0x80, s9, s22, $0xb8;
	[tilespmem:$0x1F100] =	vst v63  }
0x90: {  	_ =	swait.ge [sflag:s0], $0x2000  }
0x91: {  	[sflag:s0] =	ssyncset.done $0x0  }
0x92: {  	s8 =	sadd.s32 $0x29C0, s6;
	[sflag:s0] =	ssyncadd.s32 $0xFFFFE000  }
0x93: {  	s9 =	sadd.s32 $0x180, s6  }
0x94: {  	[tilespmem:s24], [sflag:$0x1] =	stream.indirect.gather [hbm4b:s4+s22], $0x80, s9, s22, $0xb8;
	[tilespmem:$0x1F100] =	vst v63  }
0x95: {  	_ =	swait.ge [sflag:s29], $0x2000  }
0x96: {  	[sflag:s29] =	ssyncset.done $0x0  }
0x97: {  	[sflag:s29] =	ssyncadd.s32 $0xFFFFE000  }
0x98: {  	[spmem:s2] =	stream.indirect.scatter.add.f32 [tilespmem:s20], [sflag:$0x6], $0x80, s8, s22, $0xb8;
	[tilespmem:$0x1F100] =	vst v63  }
.Ltmp4:
0x99: {  	_ = 	snop;
	(pc) =	sbr.rel .LBB2_4-.Ltmp4, $4  }
0x9a: {  	_ =	swait.ge [sflag:s1], $0x2000  }
0x9b: {  	[sflag:s1] =	ssyncset.done $0x0  }
0x9c: {  	s5 =	sadd.s32 $0x300, s5;
	s9 =	sadd.s32 $0x1C0, s6;
	[sflag:s1] =	ssyncadd.s32 $0xFFFFE000  }
0x9d: {  	[tilespmem:s26], [sflag:$0x2] =	stream.indirect.gather [hbm4b:s4+s22], $0x80, s9, s22, $0xb8;
	[tilespmem:$0x1F100] =	vst v63  }
.LBB2_7:
0x9e: {  	_ =	sfence.sel $0x180000  }
0x9f: {  	[bflag:$0x0] =	sbarrier.arrive $0xFFFF  }
0xa0: {  	_ =	strace $0x9000004A  }
0xa1: {  	s0 =	stileid.u32;
	[bflag:$0x2] =	sbarrier.arrive $0xFFFF  }
0xa2: {  	p0 =	sne.s32 s0, $0x0;
	s0 =	rddreg [dreg:$0x3]  }
0xa3: {  	s0 =	sadd.s32 @!p0 $0x100000, s0  }
0xa4: {  	[sflag:s0] =	ssyncadd.tile.s32 @!p0 $0x1;
	_ =	shalt  }
.Lfunc_end2:
_tile_overlayer_lowered:
.L_overlay_start_2:
0xa5: {  	(tag) =	ssettag $0x2  }
0xa6: {  	s0 =	rddreg [dreg:$0x0];
	s2 =	stileid.u32  }
0xa7: {  	s1 =	rddreg [dreg:$0x1];
	p0 =	sne.s32 s2, $0x0  }
0xa8: {  	s3 =	rddreg [dreg:$0x2];
	[bflag:$0x3] =	sbarrier.arrive $0xFFFF;
	s2 =	simm.s32 @!p0 $0x1C08  }
0xa9: {  	[timem:s3], [sflag:s2] =	dma.local @!p0 [hbm:s0], s1  }
0xaa: {  	s0 =	simm.s32 @!p0 $0x8  }
0xab: {  	_ =	swait.ge @!p0 [sflag:s0], s1  }
0xac: {  	s1 =	ssub.s32 @!p0 $0x0, s1;
	[sflag:s0] =	ssyncset.done @!p0 $0x0  }
0xad: {  	[sflag:s0] =	ssyncadd.s32 @!p0 s1  }
0xae: {  	[bflag:$0x3] =	sbarrier.arrive $0xFFFF  }
0xaf: {  	_ =	shalt  }

// kernel: kernel.15.cloned.1.call-start
scs
__scs_entry_jumppad:
0x0: {  	(pc) =	sbr.rel $0x88, $3  }
0x1: {  	(tag) =	ssettag $0x0;
	lr =	simm.s32 $0x1  }
0x2: {  	[smem:$0x3F9B] =	sst lr;
	_ =	strace $0xD0000000  }
0x3: {  	_ = 	snop  }
0x4: {  	_ = 	snop  }
0x5: {  	_ = 	snop  }
0x6: {  	_ = 	snop  }
0x7: {  	_ = 	snop  }
__scs_overlays_trampoline_lowered:
0x8: {  	[smem:$0x3FAA] =	sst s0  }
0x9: {  	[smem:$0x3FAB] =	sst s1  }
0xa: {  	[smem:$0x3FAC] =	sst s2  }
0xb: {  	[smem:$0x3FAD] =	sst s3  }
0xc: {  	[smem:$0x3FAE] =	sst s4  }
0xd: {  	[smem:$0x3FAF] =	sst s5  }
0xe: {  	[smem:$0x3FB0] =	sst s6  }
0xf: {  	[smem:$0x3FB1] =	sst s7  }
0x10: {  	[smem:$0x3FB2] =	sst s8  }
0x11: {  	[smem:$0x3FB3] =	sst s9;
	s0 =	simm.s32 @!p0 $0x0  }
0x12: {  	s1 =	sld [smem:$0x3F99];
	s0 =	simm.s32 @p0 $0x1  }
0x13: {  	[smem:$0x3FB4] =	sst s0;
	s0 =	simm.s32 @!p1 $0x0  }
0x14: {  	s2 =	sld [smem:$0x3F98];
	s0 =	simm.s32 @p1 $0x1  }
0x15: {  	[smem:$0x3FB5] =	sst s0;
	s0 =	simm.s32 @!p2 $0x0  }
0x16: {  	s3 =	sld [smem:$0x3FDB];
	s0 =	simm.s32 @p2 $0x1  }
0x17: {  	s4 =	simm.s32 $0x1BF5;
	[smem:$0x3FB7] =	sst s0  }
0x18: {  	s0 =	sld [smem:$0x3F9A];
	_ =	swait.ge [sflag:s4], $0x0  }
0x19: {  	s7 =	sld [smem:$0x3F9B]  }
0x1a: {  	s8 =	sadd.s32 $0xFFFFE003, lr  }
0x1b: {  	s9 =	sadd.s32 $0xFFFFFEF7, lr;
	s5 =	simm.s32 $0xFFFFFFFF;
	p2 =	slt.u32 s8, $0xFFFFF086  }
0x1c: {  	p1 =	slt.u32 s9, $0xF7A;
	s5 =	simm.s32 @!p2 $0x0  }
0x1d: {  	s5 =	simm.s32 @p1 $0x1;
	p0 =	seq.s32 s7, s2  }
0x1e: {  	s7 =	smul.u32 @!p0 $0xF7A, s2;
	p2 =	seq.s32 @!p0 s5, $0x0  }
0x1f: {  	s9 =	smul.u32 $0xF7A, s1;
	s8 =	simm.s32 @!p0 $0x1BF5;
	p2 =	por !p2, p0  }
0x20: {  	[sflag:s8] =	ssyncset.s32 @!p0 $0xFFFFF086;
	s6 =	sadd.s32 @!p0 s3, s7;
	s7 =	simm.s32 @!p0 $0x108  }
0x21: {  	s3 =	sadd.s32 s3, s9;
	s6 =	sadd.s32 @!p0 $0x88, s6;
	s7 =	simm.s32 @p2 $0x1082  }
0x22: {  	[simem:s7], [sflag:s8] =	dma.local @!p0 [hbm:s6], $0xF7A  }
0x23: {  	s9 =	sor.u32 $0xD0000000, s2;
	s6 =	simm.s32 $0x108;
	_ =	swait.ge @!p0 [sflag:s8], $0x0  }
0x24: {  	s3 =	sadd.s32 $0x88, s3;
	s6 =	simm.s32 @!p1 $0x1082;
	[sflag:s4] =	ssyncset.s32 $0xFFFFF086  }
0x25: {  	[simem:s6], [sflag:s4] =	dma.local [hbm:s3], $0xF7A  }
0x26: {  	[smem:$0x3F9B] =	sst s1;
	(tag) =	ssettag s2;
	_ =	strace s9  }
0x27: {  	s1 =	sld [smem:$0x3FAB]  }
0x28: {  	s2 =	sld [smem:$0x3FAC]  }
0x29: {  	s4 =	sld [smem:$0x3FAE]  }
0x2a: {  	p0 =	seq.s32 s5, $0x0;
	s5 =	sld [smem:$0x3FAF]  }
0x2b: {  	s6 =	sld [smem:$0x3FB0]  }
0x2c: {  	s7 =	sld [smem:$0x3FB1]  }
0x2d: {  	s3 =	simm.s32 $0x108;
	s8 =	sld [smem:$0x3FB2]  }
0x2e: {  	s3 =	simm.s32 @!p0 $0x1082;
	s9 =	sld [smem:$0x3FB3]  }
0x2f: {  	lr =	sadd.s32 s0, s3;
	s0 =	sld [smem:$0x3FAA]  }
0x30: {  	s3 =	sld [smem:$0x3FAD]  }
0x31: {  	[smem:$0x3FB6] =	sst s10  }
0x32: {  	s10 =	sld [smem:$0x3FB4];
	_ =	sdelay $0x3  }
0x33: {  	p0 =	seq.s32 s10, $0x1;
	s10 =	sld [smem:$0x3FB6];
	_ =	sdelay $0x3  }
0x34: {  	[smem:$0x3FB6] =	sst s10  }
0x35: {  	s10 =	sld [smem:$0x3FB5];
	_ =	sdelay $0x3  }
0x36: {  	p1 =	seq.s32 s10, $0x1;
	s10 =	sld [smem:$0x3FB6];
	_ =	sdelay $0x3  }
0x37: {  	[smem:$0x3FB6] =	sst s10  }
0x38: {  	s10 =	sld [smem:$0x3FB7]  }
0x39: {  	_ = 	snop;
	(pc) =	sbr.ind lr, $3  }
0x3a: {  	_ = 	snop  }
0x3b: {  	_ = 	snop  }
0x3c: {  	p2 =	seq.s32 s10, $0x1;
	s10 =	sld [smem:$0x3FB6]  }
0x3d: {  	_ =	shalt  }
0x3e: {  	_ =	shalt  }
0x3f: {  	_ =	shalt  }
0x40: {  	_ =	shalt  }
0x41: {  	_ =	shalt  }
0x42: {  	_ =	shalt  }
0x43: {  	_ =	shalt  }
0x44: {  	_ =	shalt  }
0x45: {  	_ =	shalt  }
0x46: {  	_ =	shalt  }
0x47: {  	_ =	shalt  }
0x48: {  	_ =	shalt  }
0x49: {  	_ =	shalt  }
0x4a: {  	_ =	shalt  }
0x4b: {  	_ =	shalt  }
0x4c: {  	_ =	shalt  }
0x4d: {  	_ =	shalt  }
0x4e: {  	_ =	shalt  }
0x4f: {  	_ =	shalt  }
0x50: {  	_ =	shalt  }
0x51: {  	_ =	shalt  }
0x52: {  	_ =	shalt  }
0x53: {  	_ =	shalt  }
0x54: {  	_ =	shalt  }
0x55: {  	_ =	shalt  }
0x56: {  	_ =	shalt  }
0x57: {  	_ =	shalt  }
0x58: {  	_ =	shalt  }
0x59: {  	_ =	shalt  }
0x5a: {  	_ =	shalt  }
0x5b: {  	_ =	shalt  }
0x5c: {  	_ =	shalt  }
0x5d: {  	_ =	shalt  }
0x5e: {  	_ =	shalt  }
0x5f: {  	_ =	shalt  }
0x60: {  	_ =	shalt  }
0x61: {  	_ =	shalt  }
0x62: {  	_ =	shalt  }
0x63: {  	_ =	shalt  }
0x64: {  	_ =	shalt  }
0x65: {  	_ =	shalt  }
0x66: {  	_ =	shalt  }
0x67: {  	_ =	shalt  }
0x68: {  	_ =	shalt  }
0x69: {  	_ =	shalt  }
0x6a: {  	_ =	shalt  }
0x6b: {  	_ =	shalt  }
0x6c: {  	_ =	shalt  }
0x6d: {  	_ =	shalt  }
0x6e: {  	_ =	shalt  }
0x6f: {  	_ =	shalt  }
0x70: {  	_ =	shalt  }
0x71: {  	_ =	shalt  }
0x72: {  	_ =	shalt  }
0x73: {  	_ =	shalt  }
0x74: {  	_ =	shalt  }
0x75: {  	_ =	shalt  }
0x76: {  	_ =	shalt  }
0x77: {  	_ =	shalt  }
0x78: {  	_ =	shalt  }
0x79: {  	_ =	shalt  }
0x7a: {  	_ =	shalt  }
0x7b: {  	_ =	shalt  }
0x7c: {  	_ =	shalt  }
0x7d: {  	_ =	shalt  }
0x7e: {  	_ =	shalt  }
0x7f: {  	_ =	shalt  }
0x80: {  	_ =	shalt  }
0x81: {  	_ =	shalt  }
0x82: {  	_ =	shalt  }
0x83: {  	_ =	shalt  }
0x84: {  	_ =	shalt  }
0x85: {  	_ =	shalt  }
0x86: {  	_ =	shalt  }
0x87: {  	_ =	shalt  }
.Lfunc_end0:
.L_simem_size_0:
called_computation.2_lowered:
.L_overlay_start_0:
0x88: {  	s2 =	sld [smem:$0x3FD9]  }
0x89: {  	s3 =	sld [smem:$0x3FFE];
	_ =	sdelay $0x1  }
0x8a: {  	s1 =	srdreg.scid  }
0x8b: {  	s0 =	sand.u32 $0x1, s1  }
0x8c: {  	s17 =	sshll.u32 s0, $0xA;
	s2 =	sadd.s32 s3, s2  }
0x8d: {  	s2 =	sadd.s32 s2, s17  }
0x8e: {  	[smem:$0x3FC2] =	sst s2  }
0x8f: {  	_ = 	snop  }
0x90: {  	s2 =	sld [smem:$0x3FD0];
	(tm) =	ssettm $0x1  }
0x91: {  	s18 =	sld [smem:$0x3FFB];
	_ =	sdelay $0x3  }
0x92: {  	_ =	strace s18  }
0x93: {  	s3 =	sld [smem:$0x3FFC];
	_ =	sdelay $0x3  }
0x94: {  	_ =	strace s3  }
0x95: {  	s3 =	sld [smem:$0x3FFD];
	_ =	sdelay $0x3  }
0x96: {  	_ =	strace s3  }
0x97: {  	_ =	strace $0x8FFFFFFF  }
0x98: {  	s19 =	sld [smem:$0x3FDB];
	_ =	sdelay $0x1  }
0x99: {  	s4 =	simm.s32 $_scs_section_size  }
0x9a: {  	s5 =	simm.s32 $_size__tile_overlayer_lowered;
	s6 =	simm.s32 $_tile_overlayer_lowered  }
0x9b: {  	s22 =	simm.s32 $0x1BFF;
	s21 =	sshll.u32 s6, $0x1;
	s3 =	sadd.s32 s4, s19  }
0x9c: {  	s7 =	simm.s32 $0x0;
	s20 =	sshll.u32 s5, $0x1;
	s5 =	sadd.s32 s21, s3  }
0x9d: {  	[timem:s7], [sflag:s22] =	dma.local [hbm:s5], s20  }
0x9e: {  	_ =	swait.ge [sflag:s22], s20  }
0x9f: {  	s4 =	ssub.s32 $0x0, s20;
	[sflag:s22] =	ssyncset.done $0x0  }
0xa0: {  	[sflag:s22] =	ssyncadd.s32 s4;
	_ =	sdelay $0x1  }
0xa1: {  	s23 =	simm.s32 $0x1B8B  }
0xa2: {  	_ =	swait.ge [sflag:s23], $0x1  }
0xa3: {  	[sflag:s23] =	ssyncset.done $0x0  }
0xa4: {  	s25 =	simm.s32 $0x1B8E;
	s24 =	sld [smem:$0x3FFE];
	[sflag:s23] =	ssyncadd.s32 $0xFFFFFFFF  }
0xa5: {  	s26 =	simm.s32 $execute0_lowered;
	[smem:$0x3FD2] =	sst s25  }
0xa6: {  	s5 =	sshll.u32 s26, $0x1;
	_ =	strace $0x8000004C;
	[dreg:$0x1] =	wrdreg $0xFFFFFFFF  }
0xa7: {  	s28 =	simm.s32 $_size_execute0_lowered;
	s3 =	sadd.s32 s3, s5;
	[dreg:$0x0] =	wrdreg $0x0  }
0xa8: {  	s5 =	sshll.u32 s28, $0x1;
	[dreg:$0x2] =	wrdreg s3  }
0xa9: {  	[dreg:$0x3] =	wrdreg s5  }
0xaa: {  	[dreg:$0x4] =	wrdreg $0xC0  }
0xab: {  	_ =	task [dreg:s7], $0x5FFFF  }
0xac: {  	[dreg:$0x1] =	wrdreg $0xFFFFFFFF  }
0xad: {  	[dreg:$0x0] =	wrdreg $0x60  }
0xae: {  	[dreg:$0x2] =	wrdreg s2  }
0xaf: {  	[dreg:$0x3] =	wrdreg s24  }
0xb0: {  	[dreg:$0x4] =	wrdreg $0x99000  }
0xb1: {  	[dreg:$0x5] =	wrdreg $0x9  }
0xb2: {  	_ =	task.clear_ibuf [dreg:s7], $0x6FFFF;
	_ =	strace $0x9000004C  }
0xb3: {  	s29 =	simm.s32 $0x9;
	_ =	strace $0x8000004E  }
0xb4: {  	_ =	swait.ge [sflag:s29], $0x1  }
0xb5: {  	[sflag:s29] =	ssyncadd.s32 $0xFFFFFFFF  }
0xb6: {  	_ =	strace $0x9000004E  }
0xb7: {  	_ =	sfence  }
0xb8: {  	s30 =	sld [smem:$0x0];
	_ =	sdelay $0x2  }
0xb9: {  	s31 =	sshll.u32 s1, $0xD;
	s1 =	sshrl.u32 s1, $0x2  }
0xba: {  	s3 =	sand.u32 $0x4000, s31;
	s1 =	sadd.s32 s1, s30  }
0xbb: {  	s0 =	sor.u32 s3, s0;
	s1 =	sshll.u32 s1, $0x11  }
0xbc: {  	s0 =	sor.u32 s1, s0  }
0xbd: {  	s0 =	sadd.s32 $0x8F2B, s0  }
0xbe: {  	[sflag:s0] =	ssyncadd.remote.s32 $0x1  }
0xbf: {  	_ =	sfence.sel $0xFFFF  }
0xc0: {  	[dreg:$0x0] =	wrdreg $0xFFFFFFFF;
	(pc) =	sbr.abs _section_cstart, $3  }
0xc1: {  	[dreg:$0x1] =	wrdreg $0xFFFFFFFF  }
0xc2: {  	_ =	task.clear_ibuf [dreg:s7], $0x2FFFF;
	_ =	strace $0x9FFFFFFF  }
0xc3: {  	(tm) =	ssettm $0x7FFFFFFF  }
tec
execute0_lowered:
.L_overlay_start_1:
0x0: {  	(tag) =	ssettag $0x1  }
0x1: {  	s1 =	rddreg [dreg:$0x0]  }
0x2: {  	s0 =	srdreg.scid;
	s6 =	rddreg [dreg:$0x1]  }
0x3: {  	s24 =	stileid.u32;
	s2 =	rddreg [dreg:$0x2]  }
0x4: {  	s13 =	simm.s32 $0x4;
	s14 =	simm.s32 $0x2880;
	s15 =	simm.s32 $0x8100  }
0x5: {  	s16 =	simm.s32 $0x5;
	s17 =	simm.s32 $0x80;
	s18 =	simm.s32 $0x5100  }
0x6: {  	s19 =	simm.s32 $0x6900;
	s20 =	simm.s32 $0x100;
	s21 =	simm.s32 $0x1  }
0x7: {  	s22 =	simm.s32 $0x2;
	s28 =	simm.s32 $0x5000;
	s10 =	smul.u32 $0x7800, s24  }
0x8: {  	s29 =	simm.s32 $0x5080;
	s5 =	sand.u32 $0x1, s0;
	s11 =	smul.u32 $0x1E000, s24  }
0x9: {  	s30 =	simm.s32 $0x0;
	s3 =	sshll.u32 s5, $0x4;
	s9 =	smul.u32 $0xF000, s5  }
0xa: {  	s5 =	ssub.s32 $0x2, s5;
	s4 =	sor.u32 s24, s3;
	s3 =	simm.s32 $0x0  }
0xb: {  	s25 =	sshrl.u32 s5, $0x1;
	s23 =	sshrl.u32 s10, $0x3;
	s31 =	sshrl.u32 s11, $0x2  }
0xc: {  	s24 =	simm.s32 $0x3;
	s7 =	smul.u32 $0x510, s4;
	[smem:$0x7FF] =	sst s3  }
0xd: {  	s4 =	sadd.s32 $0xC400, s6;
	s9 =	sadd.s32 s9, s6;
	s12 =	ssub.s32 s5, s25  }
0xe: {  	s25 =	sadd.s32 s10, s2;
	_ =	strace $0x8000004D;
	s26 =	sadd.s32 $0x1B000, s9  }
0xf: {  	s25 =	sshrl.u32 s25, $0x3;
	s8 =	sadd.s32 s7, s6;
	s5 =	sadd.s32 s1, s7  }
0x10: {  	s7 =	smax.u32 s12, $0x1;
	s6 =	sadd.s32 $0x2200, s8;
	s8 =	sadd.s32 s31, s2  }
0x11: {  	s23 =	sadd.s32 s23, s26;
	s26 =	simm.s32 $0x4F80;
	s9 =	sadd.s32 $0x1800, s8  }
0x12: {  	v0 =	vimm.f32 $0.0e+00;
	s10 =	sadd.s32 $0x3000, s8;
	s11 =	sadd.s32 $0x4800, s8;
	s12 =	sadd.s32 $0x6000, s8  }
.LBB2_1:
0x13: {  	[tilespmem:s3], [sflag:$0x4] =	stream.linear.gather [hbm4b:s5+s3], $0x2880, $0x38;
	[tilespmem:$0x11100] =	vst v63  }
0x14: {  	_ =	swait.ge [sflag:s13], $0x2880  }
0x15: {  	[sflag:s13] =	ssyncset.done $0x0  }
0x16: {  	[sflag:s13] =	ssyncadd.s32 $0xFFFFD780  }
0x17: {  	[tilespmem:s14], [sflag:$0x4] =	stream.linear.gather [hbm4b:s6+s3], $0x2880, $0x38;
	[tilespmem:$0x11100] =	vst v63  }
0x18: {  	_ =	swait.ge [sflag:s13], $0x2880  }
0x19: {  	[sflag:s13] =	ssyncset.done $0x0  }
0x1a: {  	s31 =	simm.s32 $0xC0;
	s1 =	simm.s32 $0x0;
	[sflag:s13] =	ssyncadd.s32 $0xFFFFD780  }
.LBB2_2:
0x1b: {  	p0 =	seq.s32 s31, $0x5F40;
	[tilespmem:s1+$0x8120] =	vst v0;
	s0 =	smov.u32 s31;
	s31 =	sadd.s32 $0xC0, s31  }
.Ltmp0:
0x1c: {  	[tilespmem:s1+$0x8100] =	vst v0;
	(pc) =	sbr.rel @!p0 .LBB2_2-.Ltmp0, $2  }
0x1d: {  	[tilespmem:s1+$0x8110] =	vst v0;
	_ =	sdelay $0x2  }
0x1e: {  	s1 =	sshra.s32 s0, $0x2  }
0x1f: {  	[tilespmem:s1+$0x8120] =	vst v0  }
0x20: {  	[tilespmem:s1+$0x8100] =	vst v0  }
0x21: {  	[tilespmem:s1+$0x8110] =	vst v0  }
0x22: {  	[spmem:s8] =	stream.linear.scatter [tilespmem:s15], [sflag:$0x5], $0x1800, $0x38;
	[tilespmem:$0x11100] =	vst v63  }
0x23: {  	_ =	swait.ge [sflag:s16], $0x1800  }
0x24: {  	[sflag:s16] =	ssyncset.done $0x0  }
0x25: {  	[sflag:s16] =	ssyncadd.s32 $0xFFFFE800  }
0x26: {  	[spmem:s9] =	stream.linear.scatter [tilespmem:s15], [sflag:$0x5], $0x1800, $0x38;
	[tilespmem:$0x11100] =	vst v63  }
0x27: {  	_ =	swait.ge [sflag:s16], $0x1800  }
0x28: {  	[sflag:s16] =	ssyncset.done $0x0  }
0x29: {  	[sflag:s16] =	ssyncadd.s32 $0xFFFFE800  }
0x2a: {  	[spmem:s10] =	stream.linear.scatter [tilespmem:s15], [sflag:$0x5], $0x1800, $0x38;
	[tilespmem:$0x11100] =	vst v63  }
0x2b: {  	_ =	swait.ge [sflag:s16], $0x1800  }
0x2c: {  	[sflag:s16] =	ssyncset.done $0x0  }
0x2d: {  	[sflag:s16] =	ssyncadd.s32 $0xFFFFE800  }
0x2e: {  	[spmem:s11] =	stream.linear.scatter [tilespmem:s15], [sflag:$0x5], $0x1800, $0x38;
	[tilespmem:$0x11100] =	vst v63  }
0x2f: {  	_ =	swait.ge [sflag:s16], $0x1800  }
0x30: {  	[sflag:s16] =	ssyncset.done $0x0  }
0x31: {  	[sflag:s16] =	ssyncadd.s32 $0xFFFFE800  }
0x32: {  	[spmem:s12] =	stream.linear.scatter [tilespmem:s15], [sflag:$0x5], $0x1800, $0x38;
	[tilespmem:$0x11100] =	vst v63  }
0x33: {  	_ =	swait.ge [sflag:s16], $0x1800  }
0x34: {  	[sflag:s16] =	ssyncset.done $0x0  }
0x35: {  	[sflag:s16] =	ssyncadd.s32 $0xFFFFE800  }
0x36: {  	s0 =	simm.s32 $0x0;
	[bflag:$0x0] =	sbarrier.arrive $0xFFFF  }
0x37: {  	[tilespmem:s18], [sflag:$0x1] =	stream.indirect.gather [hbm4b:s4+s17], $0x30, s0, s17, $0xb8;
	[tilespmem:$0x11100] =	vst v63  }
0x38: {  	_ = 	snop  }
0x39: {  	[tilespmem:s19], [sflag:$0x2] =	stream.indirect.gather [hbm4b:s4+s17], $0x30, s17, s17, $0xb8;
	[tilespmem:$0x11100] =	vst v63  }
0x3a: {  	_ = 	snop  }
0x3b: {  	[tilespmem:s15], [sflag:$0x3] =	stream.indirect.gather [hbm4b:s4+s17], $0x30, s20, s17, $0xb8;
	[tilespmem:$0x11100] =	vst v63  }
0x3c: {  	_ =	swait.ge [sflag:s21], $0x1800  }
0x3d: {  	[sflag:s21] =	ssyncset.done $0x0  }
0x3e: {  	s0 =	simm.s32 $0x2880;
	[sflag:s21] =	ssyncadd.s32 $0xFFFFE800  }
0x3f: {  	[spmem:s2] =	stream.indirect.scatter.add.f32 [tilespmem:s18], [sflag:$0x5], $0x30, s0, s17, $0xb8;
	[tilespmem:$0x11100] =	vst v63  }
0x40: {  	_ =	swait.ge [sflag:s16], $0x1800  }
0x41: {  	[sflag:s16] =	ssyncset.done $0x0  }
0x42: {  	s1 =	simm.s32 $0x180;
	[sflag:s16] =	ssyncadd.s32 $0xFFFFE800  }
0x43: {  	[tilespmem:s18], [sflag:$0x1] =	stream.indirect.gather [hbm4b:s4+s17], $0x30, s1, s17, $0xb8;
	[tilespmem:$0x11100] =	vst v63  }
0x44: {  	_ =	swait.ge [sflag:s22], $0x1800  }
0x45: {  	[sflag:s22] =	ssyncset.done $0x0  }
0x46: {  	s1 =	simm.s32 $0x2900;
	[sflag:s22] =	ssyncadd.s32 $0xFFFFE800  }
0x47: {  	[spmem:s2] =	stream.indirect.scatter.add.f32 [tilespmem:s19], [sflag:$0x5], $0x30, s1, s17, $0xb8;
	[tilespmem:$0x11100] =	vst v63  }
0x48: {  	_ =	swait.ge [sflag:s16], $0x1800  }
0x49: {  	[sflag:s16] =	ssyncset.done $0x0  }
0x4a: {  	s1 =	simm.s32 $0x200;
	[sflag:s16] =	ssyncadd.s32 $0xFFFFE800  }
0x4b: {  	[tilespmem:s19], [sflag:$0x2] =	stream.indirect.gather [hbm4b:s4+s17], $0x30, s1, s17, $0xb8;
	[tilespmem:$0x11100] =	vst v63  }
0x4c: {  	_ =	swait.ge [sflag:s24], $0x1800  }
0x4d: {  	[sflag:s24] =	ssyncset.done $0x0  }
0x4e: {  	s1 =	simm.s32 $0x2980;
	[sflag:s24] =	ssyncadd.s32 $0xFFFFE800  }
0x4f: {  	[spmem:s2] =	stream.indirect.scatter.add.f32 [tilespmem:s15], [sflag:$0x5], $0x30, s1, s17, $0xb8;
	[tilespmem:$0x11100] =	vst v63  }
0x50: {  	_ =	swait.ge [sflag:s16], $0x1800  }
0x51: {  	[sflag:s16] =	ssyncset.done $0x0  }
0x52: {  	s31 =	simm.s32 $0x600;
	s1 =	simm.s32 $0x280;
	[sflag:s16] =	ssyncadd.s32 $0xFFFFE800  }
.LBB2_4:
0x53: {  	[tilespmem:s15], [sflag:$0x3] =	stream.indirect.gather [hbm4b:s4+s17], $0x30, s1, s17, $0xb8;
	[tilespmem:$0x11100] =	vst v63  }
0x54: {  	s0 =	smov.u32 s31  }
0x55: {  	p0 =	sne.s32 s31, $0x9600;
	s31 =	sadd.s32 $0x600, s31;
	_ =	swait.ge [sflag:s21], $0x1800  }
0x56: {  	s0 =	sshra.s32 s0, $0x2;
	[sflag:s21] =	ssyncset.done $0x0  }
0x57: {  	s1 =	sadd.s32 $0x2880, s0;
	[sflag:s21] =	ssyncadd.s32 $0xFFFFE800  }
0x58: {  	[spmem:s2] =	stream.indirect.scatter.add.f32 [tilespmem:s18], [sflag:$0x5], $0x30, s1, s17, $0xb8;
	[tilespmem:$0x11100] =	vst v63  }
0x59: {  	_ =	swait.ge [sflag:s16], $0x1800  }
0x5a: {  	[sflag:s16] =	ssyncset.done $0x0  }
0x5b: {  	s1 =	sadd.s32 $0x180, s0;
	[sflag:s16] =	ssyncadd.s32 $0xFFFFE800  }
0x5c: {  	[tilespmem:s18], [sflag:$0x1] =	stream.indirect.gather [hbm4b:s4+s17], $0x30, s1, s17, $0xb8;
	[tilespmem:$0x11100] =	vst v63  }
0x5d: {  	_ =	swait.ge [sflag:s22], $0x1800  }
0x5e: {  	[sflag:s22] =	ssyncset.done $0x0  }
0x5f: {  	s1 =	sadd.s32 $0x2900, s0;
	[sflag:s22] =	ssyncadd.s32 $0xFFFFE800  }
0x60: {  	[spmem:s2] =	stream.indirect.scatter.add.f32 [tilespmem:s19], [sflag:$0x5], $0x30, s1, s17, $0xb8;
	[tilespmem:$0x11100] =	vst v63  }
0x61: {  	_ =	swait.ge [sflag:s16], $0x1800  }
0x62: {  	[sflag:s16] =	ssyncset.done $0x0  }
0x63: {  	s1 =	sadd.s32 $0x200, s0;
	[sflag:s16] =	ssyncadd.s32 $0xFFFFE800  }
0x64: {  	[tilespmem:s19], [sflag:$0x2] =	stream.indirect.gather [hbm4b:s4+s17], $0x30, s1, s17, $0xb8;
	[tilespmem:$0x11100] =	vst v63  }
0x65: {  	_ =	swait.ge [sflag:s24], $0x1800  }
0x66: {  	[sflag:s24] =	ssyncset.done $0x0  }
.Ltmp1:
0x67: {  	s1 =	sadd.s32 $0x2980, s0;
	[sflag:s24] =	ssyncadd.s32 $0xFFFFE800;
	(pc) =	sbr.rel @p0 .LBB2_4-.Ltmp1, $4  }
0x68: {  	[spmem:s2] =	stream.indirect.scatter.add.f32 [tilespmem:s15], [sflag:$0x5], $0x30, s1, s17, $0xb8;
	[tilespmem:$0x11100] =	vst v63  }
0x69: {  	_ =	swait.ge [sflag:s16], $0x1800  }
0x6a: {  	[sflag:s16] =	ssyncset.done $0x0  }
0x6b: {  	s1 =	sadd.s32 $0x280, s0;
	[sflag:s16] =	ssyncadd.s32 $0xFFFFE800  }
0x6c: {  	[tilespmem:s15], [sflag:$0x3] =	stream.indirect.gather [hbm4b:s4+s17], $0x30, s1, s17, $0xb8;
	[tilespmem:$0x11100] =	vst v63  }
0x6d: {  	_ =	swait.ge [sflag:s21], $0x1800  }
0x6e: {  	[sflag:s21] =	ssyncset.done $0x0  }
0x6f: {  	[sflag:s21] =	ssyncadd.s32 $0xFFFFE800  }
0x70: {  	[spmem:s2] =	stream.indirect.scatter.add.f32 [tilespmem:s18], [sflag:$0x5], $0x30, s26, s17, $0xb8;
	[tilespmem:$0x11100] =	vst v63  }
0x71: {  	_ =	swait.ge [sflag:s16], $0x1800  }
0x72: {  	[sflag:s16] =	ssyncset.done $0x0  }
0x73: {  	[sflag:s16] =	ssyncadd.s32 $0xFFFFE800  }
0x74: {  	_ =	swait.ge [sflag:s22], $0x1800  }
0x75: {  	[sflag:s22] =	ssyncset.done $0x0  }
0x76: {  	[sflag:s22] =	ssyncadd.s32 $0xFFFFE800  }
0x77: {  	[spmem:s2] =	stream.indirect.scatter.add.f32 [tilespmem:s19], [sflag:$0x5], $0x30, s28, s17, $0xb8;
	[tilespmem:$0x11100] =	vst v63  }
0x78: {  	_ =	swait.ge [sflag:s16], $0x1800  }
0x79: {  	[sflag:s16] =	ssyncset.done $0x0  }
0x7a: {  	[sflag:s16] =	ssyncadd.s32 $0xFFFFE800  }
0x7b: {  	_ =	swait.ge [sflag:s24], $0x1800  }
0x7c: {  	[sflag:s24] =	ssyncset.done $0x0  }
0x7d: {  	[sflag:s24] =	ssyncadd.s32 $0xFFFFE800  }
0x7e: {  	[spmem:s2] =	stream.indirect.scatter.add.f32 [tilespmem:s15], [sflag:$0x5], $0x30, s29, s17, $0xb8;
	[tilespmem:$0x11100] =	vst v63  }
0x7f: {  	_ =	swait.ge [sflag:s16], $0x1800  }
0x80: {  	s0 =	stileid.u32;
	s30 =	sadd.s32 $0x1, s30;
	[sflag:s16] =	ssyncset.done $0x0  }
0x81: {  	s0 =	sshll.u32 s0, $0x6;
	p0 =	sne.s32 s30, s7;
	[sflag:s16] =	ssyncadd.s32 $0xFFFFE800  }
.Ltmp2:
0x82: {  	s0 =	sor.u32 $0x1C05, s0;
	[bflag:$0x0] =	sbarrier.arrive $0xFFFF;
	(pc) =	sbr.rel @p0 .LBB2_1-.Ltmp2, $4  }
0x83: {  	[hbm:s23], [sflag:s0] =	dma.local [spmem:s25], $0xF00  }
0x84: {  	_ =	swait.ge [sflag:s16], $0xF00  }
0x85: {  	[sflag:s16] =	ssyncset.done $0x0  }
0x86: {  	[sflag:s16] =	ssyncadd.s32 $0xFFFFF100  }
0x87: {  	_ =	sfence.sel $0x180000  }
0x88: {  	[bflag:$0x0] =	sbarrier.arrive $0xFFFF  }
0x89: {  	_ =	strace $0x9000004D  }
0x8a: {  	s0 =	stileid.u32;
	[bflag:$0x2] =	sbarrier.arrive $0xFFFF  }
0x8b: {  	p0 =	sne.s32 s0, $0x0;
	s0 =	rddreg [dreg:$0x3]  }
0x8c: {  	s0 =	sadd.s32 @!p0 $0x100000, s0  }
0x8d: {  	[sflag:s0] =	ssyncadd.tile.s32 @!p0 $0x1;
	_ =	shalt  }
.Lfunc_end2:
_tile_overlayer_lowered:
.L_overlay_start_2:
0x8e: {  	(tag) =	ssettag $0x2  }
0x8f: {  	s0 =	rddreg [dreg:$0x0];
	s2 =	stileid.u32  }
0x90: {  	s1 =	rddreg [dreg:$0x1];
	p0 =	sne.s32 s2, $0x0  }
0x91: {  	s3 =	rddreg [dreg:$0x2];
	[bflag:$0x3] =	sbarrier.arrive $0xFFFF;
	s2 =	simm.s32 @!p0 $0x1C05  }
0x92: {  	[timem:s3], [sflag:s2] =	dma.local @!p0 [hbm:s0], s1  }
0x93: {  	s0 =	simm.s32 @!p0 $0x5  }
0x94: {  	_ =	swait.ge @!p0 [sflag:s0], s1  }
0x95: {  	s1 =	ssub.s32 @!p0 $0x0, s1;
	[sflag:s0] =	ssyncset.done @!p0 $0x0  }
0x96: {  	[sflag:s0] =	ssyncadd.s32 @!p0 s1  }
0x97: {  	[bflag:$0x3] =	sbarrier.arrive $0xFFFF  }
0x98: {  	_ =	shalt  }

// kernel: kernel.9.cloned.1.call-start
scs
__scs_entry_jumppad:
0x0: {  	(pc) =	sbr.rel $0x88, $3  }
0x1: {  	(tag) =	ssettag $0x0;
	lr =	simm.s32 $0x1  }
0x2: {  	[smem:$0x3F9B] =	sst lr;
	_ =	strace $0xD0000000  }
0x3: {  	_ = 	snop  }
0x4: {  	_ = 	snop  }
0x5: {  	_ = 	snop  }
0x6: {  	_ = 	snop  }
0x7: {  	_ = 	snop  }
__scs_overlays_trampoline_lowered:
0x8: {  	[smem:$0x3FAA] =	sst s0  }
0x9: {  	[smem:$0x3FAB] =	sst s1  }
0xa: {  	[smem:$0x3FAC] =	sst s2  }
0xb: {  	[smem:$0x3FAD] =	sst s3  }
0xc: {  	[smem:$0x3FAE] =	sst s4  }
0xd: {  	[smem:$0x3FAF] =	sst s5  }
0xe: {  	[smem:$0x3FB0] =	sst s6  }
0xf: {  	[smem:$0x3FB1] =	sst s7  }
0x10: {  	[smem:$0x3FB2] =	sst s8  }
0x11: {  	[smem:$0x3FB3] =	sst s9;
	s0 =	simm.s32 @!p0 $0x0  }
0x12: {  	s1 =	sld [smem:$0x3F99];
	s0 =	simm.s32 @p0 $0x1  }
0x13: {  	[smem:$0x3FB4] =	sst s0;
	s0 =	simm.s32 @!p1 $0x0  }
0x14: {  	s2 =	sld [smem:$0x3F98];
	s0 =	simm.s32 @p1 $0x1  }
0x15: {  	[smem:$0x3FB5] =	sst s0;
	s0 =	simm.s32 @!p2 $0x0  }
0x16: {  	s3 =	sld [smem:$0x3FDB];
	s0 =	simm.s32 @p2 $0x1  }
0x17: {  	s4 =	simm.s32 $0x1BF5;
	[smem:$0x3FB7] =	sst s0  }
0x18: {  	s0 =	sld [smem:$0x3F9A];
	_ =	swait.ge [sflag:s4], $0x0  }
0x19: {  	s7 =	sld [smem:$0x3F9B]  }
0x1a: {  	s8 =	sadd.s32 $0xFFFFE003, lr  }
0x1b: {  	s9 =	sadd.s32 $0xFFFFFEF7, lr;
	s5 =	simm.s32 $0xFFFFFFFF;
	p2 =	slt.u32 s8, $0xFFFFF086  }
0x1c: {  	p1 =	slt.u32 s9, $0xF7A;
	s5 =	simm.s32 @!p2 $0x0  }
0x1d: {  	s5 =	simm.s32 @p1 $0x1;
	p0 =	seq.s32 s7, s2  }
0x1e: {  	s7 =	smul.u32 @!p0 $0xF7A, s2;
	p2 =	seq.s32 @!p0 s5, $0x0  }
0x1f: {  	s9 =	smul.u32 $0xF7A, s1;
	s8 =	simm.s32 @!p0 $0x1BF5;
	p2 =	por !p2, p0  }
0x20: {  	[sflag:s8] =	ssyncset.s32 @!p0 $0xFFFFF086;
	s6 =	sadd.s32 @!p0 s3, s7;
	s7 =	simm.s32 @!p0 $0x108  }
0x21: {  	s3 =	sadd.s32 s3, s9;
	s6 =	sadd.s32 @!p0 $0x88, s6;
	s7 =	simm.s32 @p2 $0x1082  }
0x22: {  	[simem:s7], [sflag:s8] =	dma.local @!p0 [hbm:s6], $0xF7A  }
0x23: {  	s9 =	sor.u32 $0xD0000000, s2;
	s6 =	simm.s32 $0x108;
	_ =	swait.ge @!p0 [sflag:s8], $0x0  }
0x24: {  	s3 =	sadd.s32 $0x88, s3;
	s6 =	simm.s32 @!p1 $0x1082;
	[sflag:s4] =	ssyncset.s32 $0xFFFFF086  }
0x25: {  	[simem:s6], [sflag:s4] =	dma.local [hbm:s3], $0xF7A  }
0x26: {  	[smem:$0x3F9B] =	sst s1;
	(tag) =	ssettag s2;
	_ =	strace s9  }
0x27: {  	s1 =	sld [smem:$0x3FAB]  }
0x28: {  	s2 =	sld [smem:$0x3FAC]  }
0x29: {  	s4 =	sld [smem:$0x3FAE]  }
0x2a: {  	p0 =	seq.s32 s5, $0x0;
	s5 =	sld [smem:$0x3FAF]  }
0x2b: {  	s6 =	sld [smem:$0x3FB0]  }
0x2c: {  	s7 =	sld [smem:$0x3FB1]  }
0x2d: {  	s3 =	simm.s32 $0x108;
	s8 =	sld [smem:$0x3FB2]  }
0x2e: {  	s3 =	simm.s32 @!p0 $0x1082;
	s9 =	sld [smem:$0x3FB3]  }
0x2f: {  	lr =	sadd.s32 s0, s3;
	s0 =	sld [smem:$0x3FAA]  }
0x30: {  	s3 =	sld [smem:$0x3FAD]  }
0x31: {  	[smem:$0x3FB6] =	sst s10  }
0x32: {  	s10 =	sld [smem:$0x3FB4];
	_ =	sdelay $0x3  }
0x33: {  	p0 =	seq.s32 s10, $0x1;
	s10 =	sld [smem:$0x3FB6];
	_ =	sdelay $0x3  }
0x34: {  	[smem:$0x3FB6] =	sst s10  }
0x35: {  	s10 =	sld [smem:$0x3FB5];
	_ =	sdelay $0x3  }
0x36: {  	p1 =	seq.s32 s10, $0x1;
	s10 =	sld [smem:$0x3FB6];
	_ =	sdelay $0x3  }
0x37: {  	[smem:$0x3FB6] =	sst s10  }
0x38: {  	s10 =	sld [smem:$0x3FB7]  }
0x39: {  	_ = 	snop;
	(pc) =	sbr.ind lr, $3  }
0x3a: {  	_ = 	snop  }
0x3b: {  	_ = 	snop  }
0x3c: {  	p2 =	seq.s32 s10, $0x1;
	s10 =	sld [smem:$0x3FB6]  }
0x3d: {  	_ =	shalt  }
0x3e: {  	_ =	shalt  }
0x3f: {  	_ =	shalt  }
0x40: {  	_ =	shalt  }
0x41: {  	_ =	shalt  }
0x42: {  	_ =	shalt  }
0x43: {  	_ =	shalt  }
0x44: {  	_ =	shalt  }
0x45: {  	_ =	shalt  }
0x46: {  	_ =	shalt  }
0x47: {  	_ =	shalt  }
0x48: {  	_ =	shalt  }
0x49: {  	_ =	shalt  }
0x4a: {  	_ =	shalt  }
0x4b: {  	_ =	shalt  }
0x4c: {  	_ =	shalt  }
0x4d: {  	_ =	shalt  }
0x4e: {  	_ =	shalt  }
0x4f: {  	_ =	shalt  }
0x50: {  	_ =	shalt  }
0x51: {  	_ =	shalt  }
0x52: {  	_ =	shalt  }
0x53: {  	_ =	shalt  }
0x54: {  	_ =	shalt  }
0x55: {  	_ =	shalt  }
0x56: {  	_ =	shalt  }
0x57: {  	_ =	shalt  }
0x58: {  	_ =	shalt  }
0x59: {  	_ =	shalt  }
0x5a: {  	_ =	shalt  }
0x5b: {  	_ =	shalt  }
0x5c: {  	_ =	shalt  }
0x5d: {  	_ =	shalt  }
0x5e: {  	_ =	shalt  }
0x5f: {  	_ =	shalt  }
0x60: {  	_ =	shalt  }
0x61: {  	_ =	shalt  }
0x62: {  	_ =	shalt  }
0x63: {  	_ =	shalt  }
0x64: {  	_ =	shalt  }
0x65: {  	_ =	shalt  }
0x66: {  	_ =	shalt  }
0x67: {  	_ =	shalt  }
0x68: {  	_ =	shalt  }
0x69: {  	_ =	shalt  }
0x6a: {  	_ =	shalt  }
0x6b: {  	_ =	shalt  }
0x6c: {  	_ =	shalt  }
0x6d: {  	_ =	shalt  }
0x6e: {  	_ =	shalt  }
0x6f: {  	_ =	shalt  }
0x70: {  	_ =	shalt  }
0x71: {  	_ =	shalt  }
0x72: {  	_ =	shalt  }
0x73: {  	_ =	shalt  }
0x74: {  	_ =	shalt  }
0x75: {  	_ =	shalt  }
0x76: {  	_ =	shalt  }
0x77: {  	_ =	shalt  }
0x78: {  	_ =	shalt  }
0x79: {  	_ =	shalt  }
0x7a: {  	_ =	shalt  }
0x7b: {  	_ =	shalt  }
0x7c: {  	_ =	shalt  }
0x7d: {  	_ =	shalt  }
0x7e: {  	_ =	shalt  }
0x7f: {  	_ =	shalt  }
0x80: {  	_ =	shalt  }
0x81: {  	_ =	shalt  }
0x82: {  	_ =	shalt  }
0x83: {  	_ =	shalt  }
0x84: {  	_ =	shalt  }
0x85: {  	_ =	shalt  }
0x86: {  	_ =	shalt  }
0x87: {  	_ =	shalt  }
.Lfunc_end0:
.L_simem_size_0:
called_computation_lowered:
.L_overlay_start_0:
0x88: {  	s2 =	sld [smem:$0x3FD9]  }
0x89: {  	s3 =	sld [smem:$0x3FFE];
	_ =	sdelay $0x1  }
0x8a: {  	s1 =	srdreg.scid  }
0x8b: {  	s0 =	sand.u32 $0x1, s1  }
0x8c: {  	s16 =	sshll.u32 s0, $0xA;
	s2 =	sadd.s32 s3, s2  }
0x8d: {  	s2 =	sadd.s32 s2, s16  }
0x8e: {  	[smem:$0x3FC2] =	sst s2  }
0x8f: {  	_ = 	snop  }
0x90: {  	(tm) =	ssettm $0x1  }
0x91: {  	s17 =	sld [smem:$0x3FFB];
	_ =	sdelay $0x3  }
0x92: {  	_ =	strace s17  }
0x93: {  	s2 =	sld [smem:$0x3FFC];
	_ =	sdelay $0x3  }
0x94: {  	_ =	strace s2  }
0x95: {  	s2 =	sld [smem:$0x3FFD];
	_ =	sdelay $0x3  }
0x96: {  	_ =	strace s2  }
0x97: {  	_ =	strace $0x8FFFFFFF  }
0x98: {  	s18 =	sld [smem:$0x3FDB];
	_ =	sdelay $0x1  }
0x99: {  	s19 =	simm.s32 $_scs_section_size  }
0x9a: {  	s4 =	simm.s32 $_size__tile_overlayer_lowered;
	s5 =	simm.s32 $_tile_overlayer_lowered  }
0x9b: {  	s22 =	simm.s32 $0x1BFF;
	s21 =	sshll.u32 s5, $0x1;
	s2 =	sadd.s32 s19, s18  }
0x9c: {  	s6 =	simm.s32 $0x0;
	s20 =	sshll.u32 s4, $0x1;
	s4 =	sadd.s32 s21, s2  }
0x9d: {  	[timem:s6], [sflag:s22] =	dma.local [hbm:s4], s20  }
0x9e: {  	_ =	swait.ge [sflag:s22], s20  }
0x9f: {  	s3 =	ssub.s32 $0x0, s20;
	[sflag:s22] =	ssyncset.done $0x0  }
0xa0: {  	[sflag:s22] =	ssyncadd.s32 s3;
	_ =	sdelay $0x1  }
0xa1: {  	s23 =	simm.s32 $0x1B8B  }
0xa2: {  	_ =	swait.ge [sflag:s23], $0x1  }
0xa3: {  	[sflag:s23] =	ssyncset.done $0x0  }
0xa4: {  	s25 =	simm.s32 $0x1B8E;
	s24 =	sld [smem:$0x3FFE];
	[sflag:s23] =	ssyncadd.s32 $0xFFFFFFFF  }
0xa5: {  	s26 =	simm.s32 $execute0_lowered;
	[smem:$0x3FD2] =	sst s25  }
0xa6: {  	s4 =	sshll.u32 s26, $0x1;
	_ =	strace $0x80000046;
	[dreg:$0x1] =	wrdreg $0xFFFFFFFF  }
0xa7: {  	s28 =	simm.s32 $_size_execute0_lowered;
	s2 =	sadd.s32 s2, s4;
	[dreg:$0x0] =	wrdreg $0x0  }
0xa8: {  	s4 =	sshll.u32 s28, $0x1;
	[dreg:$0x2] =	wrdreg s2  }
0xa9: {  	[dreg:$0x3] =	wrdreg s4  }
0xaa: {  	[dreg:$0x4] =	wrdreg $0xC0  }
0xab: {  	_ =	task [dreg:s6], $0x5FFFF  }
0xac: {  	[dreg:$0x1] =	wrdreg $0xFFFFFFFF  }
0xad: {  	[dreg:$0x0] =	wrdreg $0x60  }
0xae: {  	[dreg:$0x2] =	wrdreg s24  }
0xaf: {  	[dreg:$0x3] =	wrdreg $0x38800  }
0xb0: {  	[dreg:$0x4] =	wrdreg $0x9  }
0xb1: {  	_ =	task.clear_ibuf [dreg:s6], $0x5FFFF;
	_ =	strace $0x90000046  }
0xb2: {  	s29 =	simm.s32 $0x9;
	_ =	strace $0x80000048  }
0xb3: {  	_ =	swait.ge [sflag:s29], $0x1  }
0xb4: {  	[sflag:s29] =	ssyncadd.s32 $0xFFFFFFFF  }
0xb5: {  	_ =	strace $0x90000048  }
0xb6: {  	_ =	sfence  }
0xb7: {  	s30 =	sld [smem:$0x0];
	_ =	sdelay $0x2  }
0xb8: {  	s31 =	sshll.u32 s1, $0xD;
	s1 =	sshrl.u32 s1, $0x2  }
0xb9: {  	s3 =	sand.u32 $0x4000, s31;
	s1 =	sadd.s32 s1, s30  }
0xba: {  	s0 =	sor.u32 s3, s0;
	s1 =	sshll.u32 s1, $0x11  }
0xbb: {  	s0 =	sor.u32 s1, s0  }
0xbc: {  	s0 =	sadd.s32 $0x8F2B, s0  }
0xbd: {  	[sflag:s0] =	ssyncadd.remote.s32 $0x1  }
0xbe: {  	_ =	sfence.sel $0xFFFF  }
0xbf: {  	[dreg:$0x0] =	wrdreg $0xFFFFFFFF;
	(pc) =	sbr.abs _section_cstart, $3  }
0xc0: {  	[dreg:$0x1] =	wrdreg $0xFFFFFFFF  }
0xc1: {  	_ =	task.clear_ibuf [dreg:s6], $0x2FFFF;
	_ =	strace $0x9FFFFFFF  }
0xc2: {  	(tm) =	ssettm $0x7FFFFFFF  }
0xc3: {  	_ =	shalt  }
tec
execute0_lowered:
.L_overlay_start_1:
0x0: {  	(tag) =	ssettag $0x1  }
0x1: {  	s0 =	srdreg.scid;
	s5 =	rddreg [dreg:$0x0]  }
0x2: {  	s2 =	rddreg [dreg:$0x1];
	s3 =	simm.s32 $0x0;
	s11 =	simm.s32 $0x1  }
0x3: {  	s12 =	simm.s32 $0x3080;
	s13 =	simm.s32 $0x2;
	s14 =	simm.s32 $0x80  }
0x4: {  	s15 =	simm.s32 $0x2880;
	s4 =	sand.u32 $0x1, s0;
	s0 =	stileid.u32  }
0x5: {  	s19 =	simm.s32 $0x0;
	[smem:$0x7FF] =	sst s3;
	s7 =	smul.u32 $0x5000, s4  }
0x6: {  	s1 =	sshll.u32 s4, $0x4;
	s8 =	smul.u32 $0xA000, s0;
	s4 =	ssub.s32 $0x2, s4  }
0x7: {  	s9 =	smul.u32 $0x2800, s0;
	s31 =	sshll.u32 s0, $0x6;
	s6 =	sor.u32 s0, s1  }
0x8: {  	s1 =	rddreg [dreg:$0x2];
	_ =	strace $0x80000047;
	s30 =	sshrl.u32 s4, $0x1  }
0x9: {  	s6 =	smul.u32 $0x510, s6;
	s7 =	sadd.s32 s7, s5;
	s8 =	sshrl.u32 s8, $0x2  }
0xa: {  	s10 =	ssub.s32 s4, s30;
	s17 =	sshrl.u32 s9, $0x3;
	s18 =	sadd.s32 s9, s2  }
0xb: {  	s16 =	sadd.s32 $0xC400, s7;
	s18 =	sshrl.u32 s18, $0x3;
	s6 =	sadd.s32 s6, s5  }
0xc: {  	s5 =	sadd.s32 s8, s2;
	s16 =	sadd.s32 s17, s16;
	s17 =	sor.u32 $0x1C02, s31  }
0xd: {  	s4 =	sadd.s32 $0x2200, s6;
	s6 =	smax.u32 s10, $0x1;
	s7 =	sadd.s32 $0x800, s5  }
0xe: {  	v0 =	vimm.f32 $1.000000000e+00;
	v1 =	vimm.f32 $0.0e+00;
	s8 =	sadd.s32 $0x1000, s5;
	s9 =	sadd.s32 $0x1800, s5;
	s10 =	sadd.s32 $0x2000, s5  }
.LBB2_1:
0xf: {  	[tilespmem:s3], [sflag:$0x1] =	stream.linear.gather [hbm4b:s4+s3], $0x2880, $0x38;
	[tilespmem:$0x6080] =	vst v63  }
0x10: {  	_ =	swait.ge [sflag:s11], $0x2880  }
0x11: {  	[sflag:s11] =	ssyncset.done $0x0  }
0x12: {  	s20 =	simm.s32 $0x40;
	s21 =	simm.s32 $0x0;
	[sflag:s11] =	ssyncadd.s32 $0xFFFFD780  }
.LBB2_2:
0x13: {  	p0 =	seq.s32 s20, $0x1FC0;
	[tilespmem:s21+$0x2880] =	vst v0;
	s22 =	smov.u32 s20;
	s20 =	sadd.s32 $0x40, s20  }
.Ltmp0:
0x14: {  	[tilespmem:s21+$0x3080] =	vst v1;
	(pc) =	sbr.rel @!p0 .LBB2_2-.Ltmp0, $2  }
0x15: {  	_ =	sdelay $0x2  }
0x16: {  	s21 =	sshra.s32 s22, $0x2  }
0x17: {  	[tilespmem:s21+$0x2880] =	vst v0  }
0x18: {  	[tilespmem:s21+$0x3080] =	vst v1  }
0x19: {  	[spmem:s5] =	stream.linear.scatter [tilespmem:s12], [sflag:$0x2], $0x800, $0x38;
	[tilespmem:$0x6080] =	vst v63  }
0x1a: {  	_ =	swait.ge [sflag:s13], $0x800  }
0x1b: {  	[sflag:s13] =	ssyncset.done $0x0  }
0x1c: {  	[sflag:s13] =	ssyncadd.s32 $0xFFFFF800  }
0x1d: {  	[spmem:s7] =	stream.linear.scatter [tilespmem:s12], [sflag:$0x2], $0x800, $0x38;
	[tilespmem:$0x6080] =	vst v63  }
0x1e: {  	_ =	swait.ge [sflag:s13], $0x800  }
0x1f: {  	[sflag:s13] =	ssyncset.done $0x0  }
0x20: {  	[sflag:s13] =	ssyncadd.s32 $0xFFFFF800  }
0x21: {  	[spmem:s8] =	stream.linear.scatter [tilespmem:s12], [sflag:$0x2], $0x800, $0x38;
	[tilespmem:$0x6080] =	vst v63  }
0x22: {  	_ =	swait.ge [sflag:s13], $0x800  }
0x23: {  	[sflag:s13] =	ssyncset.done $0x0  }
0x24: {  	[sflag:s13] =	ssyncadd.s32 $0xFFFFF800  }
0x25: {  	[spmem:s9] =	stream.linear.scatter [tilespmem:s12], [sflag:$0x2], $0x800, $0x38;
	[tilespmem:$0x6080] =	vst v63  }
0x26: {  	_ =	swait.ge [sflag:s13], $0x800  }
0x27: {  	[sflag:s13] =	ssyncset.done $0x0  }
0x28: {  	[sflag:s13] =	ssyncadd.s32 $0xFFFFF800  }
0x29: {  	[spmem:s10] =	stream.linear.scatter [tilespmem:s12], [sflag:$0x2], $0x800, $0x38;
	[tilespmem:$0x6080] =	vst v63  }
0x2a: {  	_ =	swait.ge [sflag:s13], $0x800  }
0x2b: {  	[sflag:s13] =	ssyncset.done $0x0  }
0x2c: {  	[sflag:s13] =	ssyncadd.s32 $0xFFFFF800  }
0x2d: {  	s20 =	simm.s32 $0x0;
	[bflag:$0x0] =	sbarrier.arrive $0xFFFF  }
0x2e: {  	[spmem:s2] =	stream.indirect.scatter.add.f32 [tilespmem:s15], [sflag:$0x2], $0x10, s20, s14, $0xb8;
	[tilespmem:$0x6080] =	vst v63  }
0x2f: {  	_ =	swait.ge [sflag:s13], $0x800  }
0x30: {  	s20 =	simm.s32 $0x200;
	[sflag:s13] =	ssyncset.done $0x0  }
.LBB2_4:
0x31: {  	s21 =	sshra.s32 s20, $0x2;
	[sflag:s13] =	ssyncadd.s32 $0xFFFFF800;
	p0 =	sne.s32 s20, $0xA000  }
0x32: {  	[spmem:s2] =	stream.indirect.scatter.add.f32 [tilespmem:s15], [sflag:$0x2], $0x10, s21, s14, $0xb8;
	[tilespmem:$0x6080] =	vst v63  }
.Ltmp1:
0x33: {  	_ = 	snop;
	(pc) =	sbr.rel @p0 .LBB2_4-.Ltmp1, $4  }
0x34: {  	_ = 	snop  }
0x35: {  	s20 =	sadd.s32 $0x200, s20  }
0x36: {  	_ =	swait.ge [sflag:s13], $0x800  }
0x37: {  	[sflag:s13] =	ssyncset.done $0x0  }
0x38: {  	s19 =	sadd.s32 $0x1, s19  }
0x39: {  	[sflag:s13] =	ssyncadd.s32 $0xFFFFF800;
	p0 =	sne.s32 s19, s6  }
.Ltmp2:
0x3a: {  	[bflag:$0x0] =	sbarrier.arrive $0xFFFF;
	(pc) =	sbr.rel @p0 .LBB2_1-.Ltmp2, $4  }
0x3b: {  	[hbm:s16], [sflag:s17] =	dma.local [spmem:s18], $0x500  }
0x3c: {  	_ =	swait.ge [sflag:s13], $0x500  }
0x3d: {  	[sflag:s13] =	ssyncset.done $0x0  }
0x3e: {  	[sflag:s13] =	ssyncadd.s32 $0xFFFFFB00  }
0x3f: {  	_ =	sfence.sel $0x180000  }
0x40: {  	[bflag:$0x0] =	sbarrier.arrive $0xFFFF  }
0x41: {  	p0 =	sne.s32 s0, $0x0;
	_ =	strace $0x90000047  }
0x42: {  	s0 =	sadd.s32 @!p0 $0x100000, s1;
	[bflag:$0x2] =	sbarrier.arrive $0xFFFF  }
0x43: {  	[sflag:s0] =	ssyncadd.tile.s32 @!p0 $0x1;
	_ =	shalt  }
.Lfunc_end2:
_tile_overlayer_lowered:
.L_overlay_start_2:
0x44: {  	(tag) =	ssettag $0x2  }
0x45: {  	s0 =	rddreg [dreg:$0x0];
	s2 =	stileid.u32  }
0x46: {  	s1 =	rddreg [dreg:$0x1];
	p0 =	sne.s32 s2, $0x0  }
0x47: {  	s3 =	rddreg [dreg:$0x2];
	[bflag:$0x3] =	sbarrier.arrive $0xFFFF;
	s2 =	simm.s32 @!p0 $0x1C02  }
0x48: {  	[timem:s3], [sflag:s2] =	dma.local @!p0 [hbm:s0], s1  }
0x49: {  	s0 =	simm.s32 @!p0 $0x2  }
0x4a: {  	_ =	swait.ge @!p0 [sflag:s0], s1  }
0x4b: {  	s1 =	ssub.s32 @!p0 $0x0, s1;
	[sflag:s0] =	ssyncset.done @!p0 $0x0  }
0x4c: {  	[sflag:s0] =	ssyncadd.s32 @!p0 s1  }
0x4d: {  	[bflag:$0x3] =	sbarrier.arrive $0xFFFF  }
0x4e: {  	_ =	shalt  }

</sc_bundles>
